<compile_context>
chip_gen: v7x
topology: tpu7x:2x2x1
jax: 0.10.2.dev20260603
libtpu: 0.0.44.dev20260713+nightly
codegen_flags: <defaults>
</compile_context>

<pallas_src>
import functools

import jax
import jax.numpy as jnp
from jax import lax
from jax.experimental import pallas as pl
from jax.experimental.pallas import tpu as pltpu
from jax.experimental.pallas import tpu_sc as plsc

_LANES = 16


def _rsqrt(x):
    i = lax.bitcast_convert_type(x, jnp.int32)
    i = jnp.int32(0x5F3759DF) - (i >> 1)
    y = lax.bitcast_convert_type(i, jnp.float32)
    for _ in range(3):
        y = y * (jnp.float32(1.5) - jnp.float32(0.5) * x * y * y)
    return y


_GATHER_DNUMS = lax.GatherDimensionNumbers(
    offset_dims=(), collapsed_slice_dims=(0,), start_index_map=(0,))


def _lane_perm(x, perm):
    return lax.gather(
        x, perm[:, None], _GATHER_DNUMS, slice_sizes=(1,),
        mode=lax.GatherScatterMode.PROMISE_IN_BOUNDS)


def _lane_sum(x):
    idx = lax.iota(jnp.int32, _LANES)
    for sh in (8, 4, 2, 1):
        x = x + _lane_perm(x, idx ^ sh)
    return x


@functools.lru_cache(maxsize=None)
def _build(B, L, H, V, P):
    assert H % _LANES == 0
    nh = H // _LANES

    chunk = L
    nsplit = 1
    while chunk > 128:
        nsplit *= 2
        assert L % nsplit == 0
        chunk = L // nsplit

    info = plsc.get_sparse_core_info()
    NC, NS = info.num_cores, info.num_subcores
    NW = NC * NS
    assert B % NW == 0
    seq_per_w = B // NW
    assert seq_per_w % 2 == 0

    mesh = plsc.VectorSubcoreMesh(core_axis_name="c", subcore_axis_name="s")

    @functools.partial(
        pl.kernel,
        mesh=mesh,
        out_type=jax.ShapeDtypeStruct((B * L, H), jnp.float32),
        scratch_types=[
            pltpu.VMEM((2, nsplit, chunk), jnp.int32),
            pltpu.VMEM((L, H), jnp.float32),
            pltpu.VMEM((L, H), jnp.float32),
            pltpu.VMEM((L, H), jnp.float32),
            pltpu.VMEM((H,), jnp.float32),
            pltpu.VMEM((H,), jnp.float32),
            pltpu.SemaphoreType.DMA,
            pltpu.SemaphoreType.DMA,
            pltpu.SemaphoreType.DMA,
            pltpu.SemaphoreType.DMA,
        ],
    )
    def emb_kernel(ids_hbm, word_hbm, pos_hbm, w_hbm, b_hbm, out_hbm,
                   idx_v, rows0_v, rows1_v, pos_v, w_v, b_v,
                   gsem0, gsem1, wsem0, wsem1):
        cid = lax.axis_index("c")
        sid = lax.axis_index("s")
        wid = sid * NC + cid

        rows = (rows0_v, rows1_v)
        gsem = (gsem0, gsem1)
        wsem = (wsem0, wsem1)

        pltpu.sync_copy(pos_hbm.at[pl.ds(0, L)], pos_v)
        pltpu.sync_copy(w_hbm, w_v)
        pltpu.sync_copy(b_hbm, b_v)

        inv_h = jnp.float32(1.0 / H)
        eps = jnp.float32(1e-12)
        seq0 = wid * seq_per_w

        def fire_gather(seq, b):
            pltpu.sync_copy(ids_hbm.at[pl.ds(seq * nsplit, nsplit)],
                            idx_v.at[b])
            for k in range(nsplit):
                pltpu.async_copy(
                    word_hbm.at[idx_v.at[b].at[k]],
                    rows[b].at[pl.ds(k * chunk, chunk)],
                    gsem[b],
                )

        def drain_gather(b):
            pltpu.make_async_copy(
                word_hbm.at[pl.ds(0, L)], rows[b], gsem[b]).wait()

        def drain_wb(b):
            pltpu.make_async_copy(
                word_hbm.at[pl.ds(0, L)], rows[b], wsem[b]).wait()

        fire_gather(seq0, 0)

        def ln_rows(b, r, wregs, bregs):
            rv = rows[b]
            for rr in (r, r + 1):
                xs = [
                    rv[rr, pl.ds(j * _LANES, _LANES)]
                    + pos_v[rr, pl.ds(j * _LANES, _LANES)]
                    for j in range(nh)
                ]
                s = xs[0]
                s2 = xs[0] * xs[0]
                for j in range(1, nh):
                    s = s + xs[j]
                    s2 = s2 + xs[j] * xs[j]
                mean = _lane_sum(s) * inv_h
                var = _lane_sum(s2) * inv_h - mean * mean
                rinv = _rsqrt(var + eps)
                for j in range(nh):
                    sl = pl.ds(j * _LANES, _LANES)
                    rv[rr, sl] = (xs[j] - mean) * rinv * wregs[j] + bregs[j]

        def pair_body(i, carry):
            for b in (0, 1):
                g = i * 2 + b
                seq = seq0 + g
                nxt_ok = jnp.int32(g) < jnp.int32(seq_per_w - 1)

                @pl.when(jnp.logical_and(nxt_ok, jnp.int32(g) >= 1))
                def _():
                    drain_wb(b ^ 1)

                @pl.when(nxt_ok)
                def _():
                    fire_gather(seq + 1, b ^ 1)

                drain_gather(b)

                wb0 = tuple(w_v[pl.ds(j * _LANES, _LANES)] for j in range(nh)) \
                    + tuple(b_v[pl.ds(j * _LANES, _LANES)] for j in range(nh))

                def row_body(r2, carry2):
                    ln_rows(b, r2 * 2, carry2[:nh], carry2[nh:])
                    return carry2

                lax.fori_loop(0, L // 2, row_body, wb0)
                pltpu.async_copy(rows[b], out_hbm.at[pl.ds(seq * L, L)],
                                 wsem[b])
            return carry

        lax.fori_loop(0, seq_per_w // 2, pair_body, 0)
        drain_wb(0)
        drain_wb(1)

    return emb_kernel, nsplit, chunk


def kernel(input_ids, word_emb, pos_emb, ln_weight, ln_bias):
    B, L = input_ids.shape
    V, H = word_emb.shape
    P = pos_emb.shape[0]
    emb_kernel, nsplit, chunk = _build(B, L, H, V, P)
    ids2d = input_ids.reshape(B * nsplit, chunk)
    out = emb_kernel(ids2d, word_emb, pos_emb, ln_weight, ln_bias)
    return out.reshape(B, L, H)

# --- scband reference (transcript-rebuilt; emitter-appended) ---
"""Pipeline reference for scband-embedding-76836964926153 (READ-ONLY COPY).

The authoritative reference and input builder live on the scoring server;
editing this copy changes nothing except your own understanding.
"""

import jax, jax.numpy as jnp
import numpy as np

VOCAB = 100000
HIDDEN = 128
POS_ROWS = 514
B, L = 4096, 200


def setup_inputs(seed: int = 0) -> dict:
    key = jax.random.key(seed)
    k_ids, k_w, k_p = jax.random.split(key, 3)
    input_ids = jax.random.randint(k_ids, (B, L), 0, VOCAB, dtype=jnp.int64 if jax.config.jax_enable_x64 else jnp.int32).astype(jnp.int32)
    word_emb = jax.random.normal(k_w, (VOCAB, HIDDEN), dtype=jnp.float32) * 0.02
    word_emb = word_emb.at[1].set(0.0)  # padding_idx=1
    pos_emb = jax.random.normal(k_p, (POS_ROWS, HIDDEN), dtype=jnp.float32) * 0.02
    pos_emb = pos_emb.at[1].set(0.0)  # padding_idx=1
    ln_weight = jnp.ones((HIDDEN,), dtype=jnp.float32)
    ln_bias = jnp.zeros((HIDDEN,), dtype=jnp.float32)
    return {
        "input_ids": input_ids,
        "word_emb": word_emb,
        "pos_emb": pos_emb,
        "ln_weight": ln_weight,
        "ln_bias": ln_bias,
    }


def _layernorm(x, weight, bias, eps=1e-12):
    u = jnp.mean(x, axis=-1, keepdims=True)
    s = jnp.mean((x - u) ** 2, axis=-1, keepdims=True)
    x = (x - u) / jnp.sqrt(s + eps)
    return weight * x + bias


def reference(input_ids, word_emb, pos_emb, ln_weight, ln_bias):
    seq_length = input_ids.shape[-1]
    position_ids = jnp.arange(seq_length, dtype=jnp.int32)
    position_ids = jnp.broadcast_to(position_ids[None, :], input_ids.shape)
    words_embeddings = jnp.take(word_emb, input_ids, axis=0)
    position_embeddings = jnp.take(pos_emb, position_ids, axis=0)
    embeddings = words_embeddings + position_embeddings
    embeddings = _layernorm(embeddings, ln_weight, ln_bias)
    return embeddings

if __name__ == "__main__":
    import jax
    _d = setup_inputs()
    print(jax.jit(kernel)(*tuple(_d.values())))

</pallas_src>

<mosaic_0001>
#map = affine_map<(d0, d1) -> (0, 0)>
#map1 = affine_map<(d0, d1) -> (0)>
module attributes {stable_mosaic.version = 14 : i64} {
  func.func @emb_kernel(%arg0: i32, %arg1: i32, %arg2: memref<8192x100xi32, #tpu.memory_space<hbm>>, %arg3: memref<100000x128xf32, #tpu.memory_space<hbm>>, %arg4: memref<514x128xf32, #tpu.memory_space<hbm>>, %arg5: memref<128xf32, #tpu.memory_space<hbm>>, %arg6: memref<128xf32, #tpu.memory_space<hbm>>, %arg7: memref<819200x128xf32, #tpu.memory_space<hbm>>, %arg8: memref<2x2x100xi32, #tpu.memory_space<vmem>>, %arg9: memref<200x128xf32, #tpu.memory_space<vmem>>, %arg10: memref<200x128xf32, #tpu.memory_space<vmem>>, %arg11: memref<200x128xf32, #tpu.memory_space<vmem>>, %arg12: memref<128xf32, #tpu.memory_space<vmem>>, %arg13: memref<128xf32, #tpu.memory_space<vmem>>, %arg14: memref<!tpu.dma_semaphore, #tpu.memory_space<semaphore_mem>>, %arg15: memref<!tpu.dma_semaphore, #tpu.memory_space<semaphore_mem>>, %arg16: memref<!tpu.dma_semaphore, #tpu.memory_space<semaphore_mem>>, %arg17: memref<!tpu.dma_semaphore, #tpu.memory_space<semaphore_mem>>) attributes {dimension_semantics = [#tpu.dimension_semantics<core_parallel>, #tpu.dimension_semantics<subcore_parallel>], iteration_bounds = array<i64: 2, 16>, scalar_prefetch = 0 : i64, scratch_operands = 10 : i64, tpu.core_type = #tpu.core_type<sc_vector_subcore>, window_params = [{transform_indices = #map}, {transform_indices = #map}, {transform_indices = #map}, {transform_indices = #map1}, {transform_indices = #map1}, {transform_indices = #map}]} {
    %mul3A = arith.constant 2 : i32
    %mul3A_0 = arith.muli %arg1, %mul3A : i32
    %add3A = arith.addi %mul3A_0, %arg0 : i32
    "tpu.region"() ({
      %run_scoped3A_52 = tpu.sem_alloc : memref<!tpu.dma_semaphore, #tpu.memory_space<semaphore_mem>>
      %dma_start3A_53 = arith.constant 0 : i32
      %dma_start3A_54 = arith.constant 0 : i32
      %dma_start3A_55 = tpu.memref_slice %arg4[%dma_start3A_53, %dma_start3A_54] : memref<514x128xf32, #tpu.memory_space<hbm>> -> memref<200x128xf32, #tpu.memory_space<hbm>>
      %dma_start3A_56 = arith.constant 0 : i32
      %dma_start3A_57 = arith.constant 0 : i32
      %dma_start3A_58 = tpu.memref_slice %arg4[%dma_start3A_56, %dma_start3A_57] : memref<514x128xf32, #tpu.memory_space<hbm>> -> memref<200x128xf32, #tpu.memory_space<hbm>>
      tpu.enqueue_dma source(%dma_start3A_58 : memref<200x128xf32, #tpu.memory_space<hbm>>) target(%arg11 : memref<200x128xf32, #tpu.memory_space<vmem>>) target_semaphore(%run_scoped3A_52 : memref<!tpu.dma_semaphore, #tpu.memory_space<semaphore_mem>>)
      %dma_wait3A_59 = arith.constant 0 : i32
      %dma_wait3A_60 = arith.constant 0 : i32
      %dma_wait3A_61 = tpu.memref_slice %arg4[%dma_wait3A_59, %dma_wait3A_60] : memref<514x128xf32, #tpu.memory_space<hbm>> -> memref<200x128xf32, #tpu.memory_space<hbm>>
      %dma_wait3A_62 = arith.constant 0 : i32
      %dma_wait3A_63 = arith.constant 0 : i32
      %dma_wait3A_64 = tpu.memref_slice %arg4[%dma_wait3A_62, %dma_wait3A_63] : memref<514x128xf32, #tpu.memory_space<hbm>> -> memref<200x128xf32, #tpu.memory_space<hbm>>
      tpu.wait_dma2 semaphore(%run_scoped3A_52 : memref<!tpu.dma_semaphore, #tpu.memory_space<semaphore_mem>>) src(%dma_wait3A_64 : memref<200x128xf32, #tpu.memory_space<hbm>>) dst(%arg11 : memref<200x128xf32, #tpu.memory_space<vmem>>)
      tpu.yield
    }) : () -> ()
    "tpu.region"() ({
      %run_scoped3A_52 = tpu.sem_alloc : memref<!tpu.dma_semaphore, #tpu.memory_space<semaphore_mem>>
      tpu.enqueue_dma source(%arg5 : memref<128xf32, #tpu.memory_space<hbm>>) target(%arg12 : memref<128xf32, #tpu.memory_space<vmem>>) target_semaphore(%run_scoped3A_52 : memref<!tpu.dma_semaphore, #tpu.memory_space<semaphore_mem>>)
      tpu.wait_dma2 semaphore(%run_scoped3A_52 : memref<!tpu.dma_semaphore, #tpu.memory_space<semaphore_mem>>) src(%arg5 : memref<128xf32, #tpu.memory_space<hbm>>) dst(%arg12 : memref<128xf32, #tpu.memory_space<vmem>>)
      tpu.yield
    }) : () -> ()
    "tpu.region"() ({
      %run_scoped3A_52 = tpu.sem_alloc : memref<!tpu.dma_semaphore, #tpu.memory_space<semaphore_mem>>
      tpu.enqueue_dma source(%arg6 : memref<128xf32, #tpu.memory_space<hbm>>) target(%arg13 : memref<128xf32, #tpu.memory_space<vmem>>) target_semaphore(%run_scoped3A_52 : memref<!tpu.dma_semaphore, #tpu.memory_space<semaphore_mem>>)
      tpu.wait_dma2 semaphore(%run_scoped3A_52 : memref<!tpu.dma_semaphore, #tpu.memory_space<semaphore_mem>>) src(%arg6 : memref<128xf32, #tpu.memory_space<hbm>>) dst(%arg13 : memref<128xf32, #tpu.memory_space<vmem>>)
      tpu.yield
    }) : () -> ()
    %mul3A_1 = arith.constant 128 : i32
    %mul3A_2 = arith.muli %add3A, %mul3A_1 : i32
    %mul3A_3 = arith.constant 2 : i32
    %mul3A_4 = arith.muli %mul3A_2, %mul3A_3 : i32
    %run_scoped3A = arith.constant 0 : i32
    "tpu.region"() ({
      %run_scoped3A_52 = tpu.sem_alloc : memref<!tpu.dma_semaphore, #tpu.memory_space<semaphore_mem>>
      %dma_start3A_53 = arith.constant 0 : i32
      %dma_start3A_54 = arith.constant 0 : i32
      %dma_start3A_55 = tpu.memref_slice %arg8[%run_scoped3A, %dma_start3A_53, %dma_start3A_54] : memref<2x2x100xi32, #tpu.memory_space<vmem>> -> memref<1x2x100xi32, #tpu.memory_space<vmem>>
      %dma_start3A_56 = tpu.memref_squeeze %dma_start3A_55 : memref<1x2x100xi32, #tpu.memory_space<vmem>> -> memref<2x100xi32, #tpu.memory_space<vmem>>
      %dma_start3A_57 = arith.constant 0 : i32
      %dma_start3A_58 = tpu.memref_slice %arg2[%mul3A_4, %dma_start3A_57] : memref<8192x100xi32, #tpu.memory_space<hbm>> -> memref<2x100xi32, #tpu.memory_space<hbm>>
      %dma_start3A_59 = arith.constant 0 : i32
      %dma_start3A_60 = arith.constant 0 : i32
      %dma_start3A_61 = tpu.memref_slice %arg8[%run_scoped3A, %dma_start3A_59, %dma_start3A_60] : memref<2x2x100xi32, #tpu.memory_space<vmem>> -> memref<1x2x100xi32, #tpu.memory_space<vmem>>
      %dma_start3A_62 = tpu.memref_squeeze %dma_start3A_61 : memref<1x2x100xi32, #tpu.memory_space<vmem>> -> memref<2x100xi32, #tpu.memory_space<vmem>>
      %dma_start3A_63 = arith.constant 0 : i32
      %dma_start3A_64 = tpu.memref_slice %arg2[%mul3A_4, %dma_start3A_63] : memref<8192x100xi32, #tpu.memory_space<hbm>> -> memref<2x100xi32, #tpu.memory_space<hbm>>
      tpu.enqueue_dma source(%dma_start3A_64 : memref<2x100xi32, #tpu.memory_space<hbm>>) target(%dma_start3A_62 : memref<2x100xi32, #tpu.memory_space<vmem>>) target_semaphore(%run_scoped3A_52 : memref<!tpu.dma_semaphore, #tpu.memory_space<semaphore_mem>>)
      %dma_wait3A_65 = arith.constant 0 : i32
      %dma_wait3A_66 = arith.constant 0 : i32
      %dma_wait3A_67 = tpu.memref_slice %arg8[%run_scoped3A, %dma_wait3A_65, %dma_wait3A_66] : memref<2x2x100xi32, #tpu.memory_space<vmem>> -> memref<1x2x100xi32, #tpu.memory_space<vmem>>
      %dma_wait3A_68 = tpu.memref_squeeze %dma_wait3A_67 : memref<1x2x100xi32, #tpu.memory_space<vmem>> -> memref<2x100xi32, #tpu.memory_space<vmem>>
      %dma_wait3A_69 = arith.constant 0 : i32
      %dma_wait3A_70 = tpu.memref_slice %arg2[%mul3A_4, %dma_wait3A_69] : memref<8192x100xi32, #tpu.memory_space<hbm>> -> memref<2x100xi32, #tpu.memory_space<hbm>>
      %dma_wait3A_71 = arith.constant 0 : i32
      %dma_wait3A_72 = arith.constant 0 : i32
      %dma_wait3A_73 = tpu.memref_slice %arg8[%run_scoped3A, %dma_wait3A_71, %dma_wait3A_72] : memref<2x2x100xi32, #tpu.memory_space<vmem>> -> memref<1x2x100xi32, #tpu.memory_space<vmem>>
      %dma_wait3A_74 = tpu.memref_squeeze %dma_wait3A_73 : memref<1x2x100xi32, #tpu.memory_space<vmem>> -> memref<2x100xi32, #tpu.memory_space<vmem>>
      %dma_wait3A_75 = arith.constant 0 : i32
      %dma_wait3A_76 = tpu.memref_slice %arg2[%mul3A_4, %dma_wait3A_75] : memref<8192x100xi32, #tpu.memory_space<hbm>> -> memref<2x100xi32, #tpu.memory_space<hbm>>
      tpu.wait_dma2 semaphore(%run_scoped3A_52 : memref<!tpu.dma_semaphore, #tpu.memory_space<semaphore_mem>>) src(%dma_wait3A_76 : memref<2x100xi32, #tpu.memory_space<hbm>>) dst(%dma_wait3A_74 : memref<2x100xi32, #tpu.memory_space<vmem>>)
      tpu.yield
    }) : () -> ()
    %dma_start3A = arith.constant 0 : i32
    %dma_start3A_5 = arith.constant 0 : i32
    %dma_start3A_6 = arith.constant 0 : i32
    %dma_start3A_7 = arith.constant 0 : i32
    %dma_start3A_8 = tpu.memref_slice %arg9[%dma_start3A_6, %dma_start3A_7] : memref<200x128xf32, #tpu.memory_space<vmem>> -> memref<100x128xf32, #tpu.memory_space<vmem>>
    %dma_start3A_9 = arith.constant 0 : i32
    %dma_start3A_10 = arith.constant 0 : i32
    %dma_start3A_11 = tpu.memref_slice %arg8[%dma_start3A, %dma_start3A_9, %dma_start3A_10] : memref<2x2x100xi32, #tpu.memory_space<vmem>> -> memref<1x2x100xi32, #tpu.memory_space<vmem>>
    %dma_start3A_12 = tpu.memref_squeeze %dma_start3A_11 : memref<1x2x100xi32, #tpu.memory_space<vmem>> -> memref<2x100xi32, #tpu.memory_space<vmem>>
    %dma_start3A_13 = arith.constant 0 : i32
    %dma_start3A_14 = tpu.memref_slice %dma_start3A_12[%dma_start3A_5, %dma_start3A_13] : memref<2x100xi32, #tpu.memory_space<vmem>> -> memref<1x100xi32, #tpu.memory_space<vmem>>
    %dma_start3A_15 = tpu.memref_squeeze %dma_start3A_14 : memref<1x100xi32, #tpu.memory_space<vmem>> -> memref<100xi32, #tpu.memory_space<vmem>>
    %dma_start3A_16 = arith.constant 0 : i32
    %dma_start3A_17 = arith.constant 0 : i32
    %dma_start3A_18 = tpu.memref_slice %arg3[%dma_start3A_16, %dma_start3A_17] : memref<100000x128xf32, #tpu.memory_space<hbm>> -> memref<100000x128xf32, #tpu.memory_space<hbm>>
    tpu.enqueue_indirect_dma source(%dma_start3A_18 : memref<100000x128xf32, #tpu.memory_space<hbm>>) target(%dma_start3A_8 : memref<100x128xf32, #tpu.memory_space<vmem>>) offsets(%dma_start3A_15 : memref<100xi32, #tpu.memory_space<vmem>>) semaphore(%arg14 : memref<!tpu.dma_semaphore, #tpu.memory_space<semaphore_mem>>)
    %dma_start3A_19 = arith.constant 0 : i32
    %dma_start3A_20 = arith.constant 1 : i32
    %dma_start3A_21 = arith.constant 100 : i32
    %dma_start3A_22 = arith.constant 0 : i32
    %dma_start3A_23 = tpu.memref_slice %arg9[%dma_start3A_21, %dma_start3A_22] : memref<200x128xf32, #tpu.memory_space<vmem>> -> memref<100x128xf32, #tpu.memory_space<vmem>>
    %dma_start3A_24 = arith.constant 0 : i32
    %dma_start3A_25 = arith.constant 0 : i32
    %dma_start3A_26 = tpu.memref_slice %arg8[%dma_start3A_19, %dma_start3A_24, %dma_start3A_25] : memref<2x2x100xi32, #tpu.memory_space<vmem>> -> memref<1x2x100xi32, #tpu.memory_space<vmem>>
    %dma_start3A_27 = tpu.memref_squeeze %dma_start3A_26 : memref<1x2x100xi32, #tpu.memory_space<vmem>> -> memref<2x100xi32, #tpu.memory_space<vmem>>
    %dma_start3A_28 = arith.constant 0 : i32
    %dma_start3A_29 = tpu.memref_slice %dma_start3A_27[%dma_start3A_20, %dma_start3A_28] : memref<2x100xi32, #tpu.memory_space<vmem>> -> memref<1x100xi32, #tpu.memory_space<vmem>>
    %dma_start3A_30 = tpu.memref_squeeze %dma_start3A_29 : memref<1x100xi32, #tpu.memory_space<vmem>> -> memref<100xi32, #tpu.memory_space<vmem>>
    %dma_start3A_31 = arith.constant 0 : i32
    %dma_start3A_32 = arith.constant 0 : i32
    %dma_start3A_33 = tpu.memref_slice %arg3[%dma_start3A_31, %dma_start3A_32] : memref<100000x128xf32, #tpu.memory_space<hbm>> -> memref<100000x128xf32, #tpu.memory_space<hbm>>
    tpu.enqueue_indirect_dma source(%dma_start3A_33 : memref<100000x128xf32, #tpu.memory_space<hbm>>) target(%dma_start3A_23 : memref<100x128xf32, #tpu.memory_space<vmem>>) offsets(%dma_start3A_30 : memref<100xi32, #tpu.memory_space<vmem>>) semaphore(%arg14 : memref<!tpu.dma_semaphore, #tpu.memory_space<semaphore_mem>>)
    %scan3A = arith.constant 0 : i32
    %scan3A_34 = arith.constant 7.812500e-03 : f32
    %scan3A_35 = arith.constant 9.99999996E-13 : f32
    %scan3A_36 = arith.constant 0 : i32
    %scan3A_37 = arith.constant 64 : i32
    %scan3A_38 = arith.addi %scan3A_36, %scan3A_37 : i32
    %scan3A_39 = arith.constant 1 : i32
    scf.for %scan3A_52 = %scan3A_36 to %scan3A_38 step %scan3A_39  : i32 {
      %mul3A_53 = arith.constant 2 : i32
      %mul3A_54 = arith.muli %scan3A_52, %mul3A_53 : i32
      %add3A_55 = arith.constant 0 : i32
      %add3A_56 = arith.addi %mul3A_54, %add3A_55 : i32
      %add3A_57 = arith.addi %mul3A_2, %add3A_56 : i32
      %lt3A = arith.constant 127 : i32
      %lt3A_58 = arith.cmpi slt, %add3A_56, %lt3A : i32
      %ge3A = arith.constant 1 : i32
      %ge3A_59 = arith.cmpi sge, %add3A_56, %ge3A : i32
      %and3A = arith.andi %lt3A_58, %ge3A_59 : i1
      %convert_element_type3A = arith.extui %and3A : i1 to i32
      %cond3A = arith.constant 0 : i32
      %cond3A_60 = arith.cmpi ne, %convert_element_type3A, %cond3A : i32
      scf.if %cond3A_60 {
        %dma_wait3A_209 = arith.constant 0 : i32
        %dma_wait3A_210 = arith.constant 0 : i32
        %dma_wait3A_211 = tpu.memref_slice %arg3[%dma_wait3A_209, %dma_wait3A_210] : memref<100000x128xf32, #tpu.memory_space<hbm>> -> memref<200x128xf32, #tpu.memory_space<hbm>>
        %dma_wait3A_212 = arith.constant 0 : i32
        %dma_wait3A_213 = arith.constant 0 : i32
        %dma_wait3A_214 = tpu.memref_slice %arg3[%dma_wait3A_212, %dma_wait3A_213] : memref<100000x128xf32, #tpu.memory_space<hbm>> -> memref<200x128xf32, #tpu.memory_space<hbm>>
        tpu.wait_dma2 semaphore(%arg17 : memref<!tpu.dma_semaphore, #tpu.memory_space<semaphore_mem>>) src(%dma_wait3A_214 : memref<200x128xf32, #tpu.memory_space<hbm>>) dst(%arg10 : memref<200x128xf32, #tpu.memory_space<vmem>>)
      } else {
      }
      %convert_element_type3A_61 = arith.extui %lt3A_58 : i1 to i32
      %cond3A_62 = arith.constant 0 : i32
      %cond3A_63 = arith.cmpi ne, %convert_element_type3A_61, %cond3A_62 : i32
      scf.if %cond3A_63 {
        %add3A_209 = arith.constant 1 : i32
        %add3A_210 = arith.addi %add3A_57, %add3A_209 : i32
        %mul3A_211 = arith.constant 2 : i32
        %mul3A_212 = arith.muli %add3A_210, %mul3A_211 : i32
        %run_scoped3A_213 = arith.constant 1 : i32
        "tpu.region"() ({
          %run_scoped3A_244 = tpu.sem_alloc : memref<!tpu.dma_semaphore, #tpu.memory_space<semaphore_mem>>
          %dma_start3A_245 = arith.constant 0 : i32
          %dma_start3A_246 = arith.constant 0 : i32
          %dma_start3A_247 = tpu.memref_slice %arg8[%run_scoped3A_213, %dma_start3A_245, %dma_start3A_246] : memref<2x2x100xi32, #tpu.memory_space<vmem>> -> memref<1x2x100xi32, #tpu.memory_space<vmem>>
          %dma_start3A_248 = tpu.memref_squeeze %dma_start3A_247 : memref<1x2x100xi32, #tpu.memory_space<vmem>> -> memref<2x100xi32, #tpu.memory_space<vmem>>
          %dma_start3A_249 = arith.constant 0 : i32
          %dma_start3A_250 = tpu.memref_slice %arg2[%mul3A_212, %dma_start3A_249] : memref<8192x100xi32, #tpu.memory_space<hbm>> -> memref<2x100xi32, #tpu.memory_space<hbm>>
          %dma_start3A_251 = arith.constant 0 : i32
          %dma_start3A_252 = arith.constant 0 : i32
          %dma_start3A_253 = tpu.memref_slice %arg8[%run_scoped3A_213, %dma_start3A_251, %dma_start3A_252] : memref<2x2x100xi32, #tpu.memory_space<vmem>> -> memref<1x2x100xi32, #tpu.memory_space<vmem>>
          %dma_start3A_254 = tpu.memref_squeeze %dma_start3A_253 : memref<1x2x100xi32, #tpu.memory_space<vmem>> -> memref<2x100xi32, #tpu.memory_space<vmem>>
          %dma_start3A_255 = arith.constant 0 : i32
          %dma_start3A_256 = tpu.memref_slice %arg2[%mul3A_212, %dma_start3A_255] : memref<8192x100xi32, #tpu.memory_space<hbm>> -> memref<2x100xi32, #tpu.memory_space<hbm>>
          tpu.enqueue_dma source(%dma_start3A_256 : memref<2x100xi32, #tpu.memory_space<hbm>>) target(%dma_start3A_254 : memref<2x100xi32, #tpu.memory_space<vmem>>) target_semaphore(%run_scoped3A_244 : memref<!tpu.dma_semaphore, #tpu.memory_space<semaphore_mem>>)
          %dma_wait3A_257 = arith.constant 0 : i32
          %dma_wait3A_258 = arith.constant 0 : i32
          %dma_wait3A_259 = tpu.memref_slice %arg8[%run_scoped3A_213, %dma_wait3A_257, %dma_wait3A_258] : memref<2x2x100xi32, #tpu.memory_space<vmem>> -> memref<1x2x100xi32, #tpu.memory_space<vmem>>
          %dma_wait3A_260 = tpu.memref_squeeze %dma_wait3A_259 : memref<1x2x100xi32, #tpu.memory_space<vmem>> -> memref<2x100xi32, #tpu.memory_space<vmem>>
          %dma_wait3A_261 = arith.constant 0 : i32
          %dma_wait3A_262 = tpu.memref_slice %arg2[%mul3A_212, %dma_wait3A_261] : memref<8192x100xi32, #tpu.memory_space<hbm>> -> memref<2x100xi32, #tpu.memory_space<hbm>>
          %dma_wait3A_263 = arith.constant 0 : i32
          %dma_wait3A_264 = arith.constant 0 : i32
          %dma_wait3A_265 = tpu.memref_slice %arg8[%run_scoped3A_213, %dma_wait3A_263, %dma_wait3A_264] : memref<2x2x100xi32, #tpu.memory_space<vmem>> -> memref<1x2x100xi32, #tpu.memory_space<vmem>>
          %dma_wait3A_266 = tpu.memref_squeeze %dma_wait3A_265 : memref<1x2x100xi32, #tpu.memory_space<vmem>> -> memref<2x100xi32, #tpu.memory_space<vmem>>
          %dma_wait3A_267 = arith.constant 0 : i32
          %dma_wait3A_268 = tpu.memref_slice %arg2[%mul3A_212, %dma_wait3A_267] : memref<8192x100xi32, #tpu.memory_space<hbm>> -> memref<2x100xi32, #tpu.memory_space<hbm>>
          tpu.wait_dma2 semaphore(%run_scoped3A_244 : memref<!tpu.dma_semaphore, #tpu.memory_space<semaphore_mem>>) src(%dma_wait3A_268 : memref<2x100xi32, #tpu.memory_space<hbm>>) dst(%dma_wait3A_266 : memref<2x100xi32, #tpu.memory_space<vmem>>)
          tpu.yield
        }) : () -> ()
        %dma_start3A_214 = arith.constant 1 : i32
        %dma_start3A_215 = arith.constant 0 : i32
        %dma_start3A_216 = arith.constant 0 : i32
        %dma_start3A_217 = arith.constant 0 : i32
        %dma_start3A_218 = tpu.memref_slice %arg10[%dma_start3A_216, %dma_start3A_217] : memref<200x128xf32, #tpu.memory_space<vmem>> -> memref<100x128xf32, #tpu.memory_space<vmem>>
        %dma_start3A_219 = arith.constant 0 : i32
        %dma_start3A_220 = arith.constant 0 : i32
        %dma_start3A_221 = tpu.memref_slice %arg8[%dma_start3A_214, %dma_start3A_219, %dma_start3A_220] : memref<2x2x100xi32, #tpu.memory_space<vmem>> -> memref<1x2x100xi32, #tpu.memory_space<vmem>>
        %dma_start3A_222 = tpu.memref_squeeze %dma_start3A_221 : memref<1x2x100xi32, #tpu.memory_space<vmem>> -> memref<2x100xi32, #tpu.memory_space<vmem>>
        %dma_start3A_223 = arith.constant 0 : i32
        %dma_start3A_224 = tpu.memref_slice %dma_start3A_222[%dma_start3A_215, %dma_start3A_223] : memref<2x100xi32, #tpu.memory_space<vmem>> -> memref<1x100xi32, #tpu.memory_space<vmem>>
        %dma_start3A_225 = tpu.memref_squeeze %dma_start3A_224 : memref<1x100xi32, #tpu.memory_space<vmem>> -> memref<100xi32, #tpu.memory_space<vmem>>
        %dma_start3A_226 = arith.constant 0 : i32
        %dma_start3A_227 = arith.constant 0 : i32
        %dma_start3A_228 = tpu.memref_slice %arg3[%dma_start3A_226, %dma_start3A_227] : memref<100000x128xf32, #tpu.memory_space<hbm>> -> memref<100000x128xf32, #tpu.memory_space<hbm>>
        tpu.enqueue_indirect_dma source(%dma_start3A_228 : memref<100000x128xf32, #tpu.memory_space<hbm>>) target(%dma_start3A_218 : memref<100x128xf32, #tpu.memory_space<vmem>>) offsets(%dma_start3A_225 : memref<100xi32, #tpu.memory_space<vmem>>) semaphore(%arg15 : memref<!tpu.dma_semaphore, #tpu.memory_space<semaphore_mem>>)
        %dma_start3A_229 = arith.constant 1 : i32
        %dma_start3A_230 = arith.constant 1 : i32
        %dma_start3A_231 = arith.constant 100 : i32
        %dma_start3A_232 = arith.constant 0 : i32
        %dma_start3A_233 = tpu.memref_slice %arg10[%dma_start3A_231, %dma_start3A_232] : memref<200x128xf32, #tpu.memory_space<vmem>> -> memref<100x128xf32, #tpu.memory_space<vmem>>
        %dma_start3A_234 = arith.constant 0 : i32
        %dma_start3A_235 = arith.constant 0 : i32
        %dma_start3A_236 = tpu.memref_slice %arg8[%dma_start3A_229, %dma_start3A_234, %dma_start3A_235] : memref<2x2x100xi32, #tpu.memory_space<vmem>> -> memref<1x2x100xi32, #tpu.memory_space<vmem>>
        %dma_start3A_237 = tpu.memref_squeeze %dma_start3A_236 : memref<1x2x100xi32, #tpu.memory_space<vmem>> -> memref<2x100xi32, #tpu.memory_space<vmem>>
        %dma_start3A_238 = arith.constant 0 : i32
        %dma_start3A_239 = tpu.memref_slice %dma_start3A_237[%dma_start3A_230, %dma_start3A_238] : memref<2x100xi32, #tpu.memory_space<vmem>> -> memref<1x100xi32, #tpu.memory_space<vmem>>
        %dma_start3A_240 = tpu.memref_squeeze %dma_start3A_239 : memref<1x100xi32, #tpu.memory_space<vmem>> -> memref<100xi32, #tpu.memory_space<vmem>>
        %dma_start3A_241 = arith.constant 0 : i32
        %dma_start3A_242 = arith.constant 0 : i32
        %dma_start3A_243 = tpu.memref_slice %arg3[%dma_start3A_241, %dma_start3A_242] : memref<100000x128xf32, #tpu.memory_space<hbm>> -> memref<100000x128xf32, #tpu.memory_space<hbm>>
        tpu.enqueue_indirect_dma source(%dma_start3A_243 : memref<100000x128xf32, #tpu.memory_space<hbm>>) target(%dma_start3A_233 : memref<100x128xf32, #tpu.memory_space<vmem>>) offsets(%dma_start3A_240 : memref<100xi32, #tpu.memory_space<vmem>>) semaphore(%arg15 : memref<!tpu.dma_semaphore, #tpu.memory_space<semaphore_mem>>)
      } else {
      }
      %dma_wait3A_64 = arith.constant 0 : i32
      %dma_wait3A_65 = arith.constant 0 : i32
      %dma_wait3A_66 = tpu.memref_slice %arg3[%dma_wait3A_64, %dma_wait3A_65] : memref<100000x128xf32, #tpu.memory_space<hbm>> -> memref<200x128xf32, #tpu.memory_space<hbm>>
      %dma_wait3A_67 = arith.constant 0 : i32
      %dma_wait3A_68 = arith.constant 0 : i32
      %dma_wait3A_69 = tpu.memref_slice %arg3[%dma_wait3A_67, %dma_wait3A_68] : memref<100000x128xf32, #tpu.memory_space<hbm>> -> memref<200x128xf32, #tpu.memory_space<hbm>>
      tpu.wait_dma2 semaphore(%arg14 : memref<!tpu.dma_semaphore, #tpu.memory_space<semaphore_mem>>) src(%dma_wait3A_69 : memref<200x128xf32, #tpu.memory_space<hbm>>) dst(%arg9 : memref<200x128xf32, #tpu.memory_space<vmem>>)
      %get3A = arith.constant 0 : index
      %get3A_70 = tpu.vector_load %arg12[%get3A] {strides = array<i32>} : memref<128xf32, #tpu.memory_space<vmem>>, vector<16xf32>,
      %get3A_71 = vector.shape_cast %get3A_70 : vector<16xf32> to vector<16xf32>
      %get3A_72 = arith.constant 16 : index
      %get3A_73 = tpu.vector_load %arg12[%get3A_72] {strides = array<i32>} : memref<128xf32, #tpu.memory_space<vmem>>, vector<16xf32>,
      %get3A_74 = vector.shape_cast %get3A_73 : vector<16xf32> to vector<16xf32>
      %get3A_75 = arith.constant 32 : index
      %get3A_76 = tpu.vector_load %arg12[%get3A_75] {strides = array<i32>} : memref<128xf32, #tpu.memory_space<vmem>>, vector<16xf32>,
      %get3A_77 = vector.shape_cast %get3A_76 : vector<16xf32> to vector<16xf32>
      %get3A_78 = arith.constant 48 : index
      %get3A_79 = tpu.vector_load %arg12[%get3A_78] {strides = array<i32>} : memref<128xf32, #tpu.memory_space<vmem>>, vector<16xf32>,
      %get3A_80 = vector.shape_cast %get3A_79 : vector<16xf32> to vector<16xf32>
      %get3A_81 = arith.constant 64 : index
      %get3A_82 = tpu.vector_load %arg12[%get3A_81] {strides = array<i32>} : memref<128xf32, #tpu.memory_space<vmem>>, vector<16xf32>,
      %get3A_83 = vector.shape_cast %get3A_82 : vector<16xf32> to vector<16xf32>
      %get3A_84 = arith.constant 80 : index
      %get3A_85 = tpu.vector_load %arg12[%get3A_84] {strides = array<i32>} : memref<128xf32, #tpu.memory_space<vmem>>, vector<16xf32>,
      %get3A_86 = vector.shape_cast %get3A_85 : vector<16xf32> to vector<16xf32>
      %get3A_87 = arith.constant 96 : index
      %get3A_88 = tpu.vector_load %arg12[%get3A_87] {strides = array<i32>} : memref<128xf32, #tpu.memory_space<vmem>>, vector<16xf32>,
      %get3A_89 = vector.shape_cast %get3A_88 : vector<16xf32> to vector<16xf32>
      %get3A_90 = arith.constant 112 : index
      %get3A_91 = tpu.vector_load %arg12[%get3A_90] {strides = array<i32>} : memref<128xf32, #tpu.memory_space<vmem>>, vector<16xf32>,
      %get3A_92 = vector.shape_cast %get3A_91 : vector<16xf32> to vector<16xf32>
      %get3A_93 = arith.constant 0 : index
      %get3A_94 = tpu.vector_load %arg13[%get3A_93] {strides = array<i32>} : memref<128xf32, #tpu.memory_space<vmem>>, vector<16xf32>,
      %get3A_95 = vector.shape_cast %get3A_94 : vector<16xf32> to vector<16xf32>
      %get3A_96 = arith.constant 16 : index
      %get3A_97 = tpu.vector_load %arg13[%get3A_96] {strides = array<i32>} : memref<128xf32, #tpu.memory_space<vmem>>, vector<16xf32>,
      %get3A_98 = vector.shape_cast %get3A_97 : vector<16xf32> to vector<16xf32>
      %get3A_99 = arith.constant 32 : index
      %get3A_100 = tpu.vector_load %arg13[%get3A_99] {strides = array<i32>} : memref<128xf32, #tpu.memory_space<vmem>>, vector<16xf32>,
      %get3A_101 = vector.shape_cast %get3A_100 : vector<16xf32> to vector<16xf32>
      %get3A_102 = arith.constant 48 : index
      %get3A_103 = tpu.vector_load %arg13[%get3A_102] {strides = array<i32>} : memref<128xf32, #tpu.memory_space<vmem>>, vector<16xf32>,
      %get3A_104 = vector.shape_cast %get3A_103 : vector<16xf32> to vector<16xf32>
      %get3A_105 = arith.constant 64 : index
      %get3A_106 = tpu.vector_load %arg13[%get3A_105] {strides = array<i32>} : memref<128xf32, #tpu.memory_space<vmem>>, vector<16xf32>,
      %get3A_107 = vector.shape_cast %get3A_106 : vector<16xf32> to vector<16xf32>
      %get3A_108 = arith.constant 80 : index
      %get3A_109 = tpu.vector_load %arg13[%get3A_108] {strides = array<i32>} : memref<128xf32, #tpu.memory_space<vmem>>, vector<16xf32>,
      %get3A_110 = vector.shape_cast %get3A_109 : vector<16xf32> to vector<16xf32>
      %get3A_111 = arith.constant 96 : index
      %get3A_112 = tpu.vector_load %arg13[%get3A_111] {strides = array<i32>} : memref<128xf32, #tpu.memory_space<vmem>>, vector<16xf32>,
      %get3A_113 = vector.shape_cast %get3A_112 : vector<16xf32> to vector<16xf32>
      %get3A_114 = arith.constant 112 : index
      %get3A_115 = tpu.vector_load %arg13[%get3A_114] {strides = array<i32>} : memref<128xf32, #tpu.memory_space<vmem>>, vector<16xf32>,
      %get3A_116 = vector.shape_cast %get3A_115 : vector<16xf32> to vector<16xf32>
      %scan3A_117 = arith.constant 0 : i32
      %scan3A_118 = arith.constant 100 : i32
      %scan3A_119 = arith.addi %scan3A_117, %scan3A_118 : i32
      %scan3A_120 = arith.constant 1 : i32
      scf.for %scan3A_209 = %scan3A_117 to %scan3A_119 step %scan3A_120  : i32 {
        %mul3A_210 = arith.constant 2 : i32
        %mul3A_211 = arith.muli %scan3A_209, %mul3A_210 : i32
        %add3A_212 = arith.constant 1 : i32
        %add3A_213 = arith.addi %mul3A_211, %add3A_212 : i32
        %get3A_214 = arith.index_cast %mul3A_211 : i32 to index
        %get3A_215 = arith.constant 0 : index
        %get3A_216 = tpu.vector_load %arg9[%get3A_214, %get3A_215] {strides = array<i32>} : memref<200x128xf32, #tpu.memory_space<vmem>>, vector<1x16xf32>,
        %get3A_217 = vector.shape_cast %get3A_216 : vector<1x16xf32> to vector<16xf32>
        %get3A_218 = arith.index_cast %mul3A_211 : i32 to index
        %get3A_219 = arith.constant 0 : index
        %get3A_220 = tpu.vector_load %arg11[%get3A_218, %get3A_219] {strides = array<i32>} : memref<200x128xf32, #tpu.memory_space<vmem>>, vector<1x16xf32>,
        %get3A_221 = vector.shape_cast %get3A_220 : vector<1x16xf32> to vector<16xf32>
        %add3A_222 = arith.addf %get3A_217, %get3A_221 : vector<16xf32>
        %get3A_223 = arith.index_cast %mul3A_211 : i32 to index
        %get3A_224 = arith.constant 16 : index
        %get3A_225 = tpu.vector_load %arg9[%get3A_223, %get3A_224] {strides = array<i32>} : memref<200x128xf32, #tpu.memory_space<vmem>>, vector<1x16xf32>,
        %get3A_226 = vector.shape_cast %get3A_225 : vector<1x16xf32> to vector<16xf32>
        %get3A_227 = arith.index_cast %mul3A_211 : i32 to index
        %get3A_228 = arith.constant 16 : index
        %get3A_229 = tpu.vector_load %arg11[%get3A_227, %get3A_228] {strides = array<i32>} : memref<200x128xf32, #tpu.memory_space<vmem>>, vector<1x16xf32>,
        %get3A_230 = vector.shape_cast %get3A_229 : vector<1x16xf32> to vector<16xf32>
        %add3A_231 = arith.addf %get3A_226, %get3A_230 : vector<16xf32>
        %get3A_232 = arith.index_cast %mul3A_211 : i32 to index
        %get3A_233 = arith.constant 32 : index
        %get3A_234 = tpu.vector_load %arg9[%get3A_232, %get3A_233] {strides = array<i32>} : memref<200x128xf32, #tpu.memory_space<vmem>>, vector<1x16xf32>,
        %get3A_235 = vector.shape_cast %get3A_234 : vector<1x16xf32> to vector<16xf32>
        %get3A_236 = arith.index_cast %mul3A_211 : i32 to index
        %get3A_237 = arith.constant 32 : index
        %get3A_238 = tpu.vector_load %arg11[%get3A_236, %get3A_237] {strides = array<i32>} : memref<200x128xf32, #tpu.memory_space<vmem>>, vector<1x16xf32>,
        %get3A_239 = vector.shape_cast %get3A_238 : vector<1x16xf32> to vector<16xf32>
        %add3A_240 = arith.addf %get3A_235, %get3A_239 : vector<16xf32>
        %get3A_241 = arith.index_cast %mul3A_211 : i32 to index
        %get3A_242 = arith.constant 48 : index
        %get3A_243 = tpu.vector_load %arg9[%get3A_241, %get3A_242] {strides = array<i32>} : memref<200x128xf32, #tpu.memory_space<vmem>>, vector<1x16xf32>,
        %get3A_244 = vector.shape_cast %get3A_243 : vector<1x16xf32> to vector<16xf32>
        %get3A_245 = arith.index_cast %mul3A_211 : i32 to index
        %get3A_246 = arith.constant 48 : index
        %get3A_247 = tpu.vector_load %arg11[%get3A_245, %get3A_246] {strides = array<i32>} : memref<200x128xf32, #tpu.memory_space<vmem>>, vector<1x16xf32>,
        %get3A_248 = vector.shape_cast %get3A_247 : vector<1x16xf32> to vector<16xf32>
        %add3A_249 = arith.addf %get3A_244, %get3A_248 : vector<16xf32>
        %get3A_250 = arith.index_cast %mul3A_211 : i32 to index
        %get3A_251 = arith.constant 64 : index
        %get3A_252 = tpu.vector_load %arg9[%get3A_250, %get3A_251] {strides = array<i32>} : memref<200x128xf32, #tpu.memory_space<vmem>>, vector<1x16xf32>,
        %get3A_253 = vector.shape_cast %get3A_252 : vector<1x16xf32> to vector<16xf32>
        %get3A_254 = arith.index_cast %mul3A_211 : i32 to index
        %get3A_255 = arith.constant 64 : index
        %get3A_256 = tpu.vector_load %arg11[%get3A_254, %get3A_255] {strides = array<i32>} : memref<200x128xf32, #tpu.memory_space<vmem>>, vector<1x16xf32>,
        %get3A_257 = vector.shape_cast %get3A_256 : vector<1x16xf32> to vector<16xf32>
        %add3A_258 = arith.addf %get3A_253, %get3A_257 : vector<16xf32>
        %get3A_259 = arith.index_cast %mul3A_211 : i32 to index
        %get3A_260 = arith.constant 80 : index
        %get3A_261 = tpu.vector_load %arg9[%get3A_259, %get3A_260] {strides = array<i32>} : memref<200x128xf32, #tpu.memory_space<vmem>>, vector<1x16xf32>,
        %get3A_262 = vector.shape_cast %get3A_261 : vector<1x16xf32> to vector<16xf32>
        %get3A_263 = arith.index_cast %mul3A_211 : i32 to index
        %get3A_264 = arith.constant 80 : index
        %get3A_265 = tpu.vector_load %arg11[%get3A_263, %get3A_264] {strides = array<i32>} : memref<200x128xf32, #tpu.memory_space<vmem>>, vector<1x16xf32>,
        %get3A_266 = vector.shape_cast %get3A_265 : vector<1x16xf32> to vector<16xf32>
        %add3A_267 = arith.addf %get3A_262, %get3A_266 : vector<16xf32>
        %get3A_268 = arith.index_cast %mul3A_211 : i32 to index
        %get3A_269 = arith.constant 96 : index
        %get3A_270 = tpu.vector_load %arg9[%get3A_268, %get3A_269] {strides = array<i32>} : memref<200x128xf32, #tpu.memory_space<vmem>>, vector<1x16xf32>,
        %get3A_271 = vector.shape_cast %get3A_270 : vector<1x16xf32> to vector<16xf32>
        %get3A_272 = arith.index_cast %mul3A_211 : i32 to index
        %get3A_273 = arith.constant 96 : index
        %get3A_274 = tpu.vector_load %arg11[%get3A_272, %get3A_273] {strides = array<i32>} : memref<200x128xf32, #tpu.memory_space<vmem>>, vector<1x16xf32>,
        %get3A_275 = vector.shape_cast %get3A_274 : vector<1x16xf32> to vector<16xf32>
        %add3A_276 = arith.addf %get3A_271, %get3A_275 : vector<16xf32>
        %get3A_277 = arith.index_cast %mul3A_211 : i32 to index
        %get3A_278 = arith.constant 112 : index
        %get3A_279 = tpu.vector_load %arg9[%get3A_277, %get3A_278] {strides = array<i32>} : memref<200x128xf32, #tpu.memory_space<vmem>>, vector<1x16xf32>,
        %get3A_280 = vector.shape_cast %get3A_279 : vector<1x16xf32> to vector<16xf32>
        %get3A_281 = arith.index_cast %mul3A_211 : i32 to index
        %get3A_282 = arith.constant 112 : index
        %get3A_283 = tpu.vector_load %arg11[%get3A_281, %get3A_282] {strides = array<i32>} : memref<200x128xf32, #tpu.memory_space<vmem>>, vector<1x16xf32>,
        %get3A_284 = vector.shape_cast %get3A_283 : vector<1x16xf32> to vector<16xf32>
        %add3A_285 = arith.addf %get3A_280, %get3A_284 : vector<16xf32>
        %mul3A_286 = arith.mulf %add3A_222, %add3A_222 : vector<16xf32>
        %add3A_287 = arith.addf %add3A_222, %add3A_231 : vector<16xf32>
        %mul3A_288 = arith.mulf %add3A_231, %add3A_231 : vector<16xf32>
        %add3A_289 = arith.addf %mul3A_286, %mul3A_288 : vector<16xf32>
        %add3A_290 = arith.addf %add3A_287, %add3A_240 : vector<16xf32>
        %mul3A_291 = arith.mulf %add3A_240, %add3A_240 : vector<16xf32>
        %add3A_292 = arith.addf %add3A_289, %mul3A_291 : vector<16xf32>
        %add3A_293 = arith.addf %add3A_290, %add3A_249 : vector<16xf32>
        %mul3A_294 = arith.mulf %add3A_249, %add3A_249 : vector<16xf32>
        %add3A_295 = arith.addf %add3A_292, %mul3A_294 : vector<16xf32>
        %add3A_296 = arith.addf %add3A_293, %add3A_258 : vector<16xf32>
        %mul3A_297 = arith.mulf %add3A_258, %add3A_258 : vector<16xf32>
        %add3A_298 = arith.addf %add3A_295, %mul3A_297 : vector<16xf32>
        %add3A_299 = arith.addf %add3A_296, %add3A_267 : vector<16xf32>
        %mul3A_300 = arith.mulf %add3A_267, %add3A_267 : vector<16xf32>
        %add3A_301 = arith.addf %add3A_298, %mul3A_300 : vector<16xf32>
        %add3A_302 = arith.addf %add3A_299, %add3A_276 : vector<16xf32>
        %mul3A_303 = arith.mulf %add3A_276, %add3A_276 : vector<16xf32>
        %add3A_304 = arith.addf %add3A_301, %mul3A_303 : vector<16xf32>
        %add3A_305 = arith.addf %add3A_302, %add3A_285 : vector<16xf32>
        %mul3A_306 = arith.mulf %add3A_285, %add3A_285 : vector<16xf32>
        %add3A_307 = arith.addf %add3A_304, %mul3A_306 : vector<16xf32>
        %iota3A = tpu.iota {dimensions = array<i32: 0>} : vector<16xi32>
        %xor3A = arith.constant 8 : i32
        %xor3A_308 = vector.broadcast %xor3A : i32 to vector<16xi32>
        %xor3A_309 = arith.xori %iota3A, %xor3A_308 : vector<16xi32>
        %broadcast_in_dim3A = vector.shape_cast %xor3A_309 : vector<16xi32> to vector<16x1xi32>
        %gather3A = vector.shape_cast %broadcast_in_dim3A : vector<16x1xi32> to vector<16xi32>
        %gather3A_310 = tpu.dynamic_gather %add3A_305[%gather3A] in [0] : vector<16xf32>, vector<16xi32> -> vector<16xf32>
        %add3A_311 = arith.addf %add3A_305, %gather3A_310 : vector<16xf32>
        %xor3A_312 = arith.constant 4 : i32
        %xor3A_313 = vector.broadcast %xor3A_312 : i32 to vector<16xi32>
        %xor3A_314 = arith.xori %iota3A, %xor3A_313 : vector<16xi32>
        %broadcast_in_dim3A_315 = vector.shape_cast %xor3A_314 : vector<16xi32> to vector<16x1xi32>
        %gather3A_316 = vector.shape_cast %broadcast_in_dim3A_315 : vector<16x1xi32> to vector<16xi32>
        %gather3A_317 = tpu.dynamic_gather %add3A_311[%gather3A_316] in [0] : vector<16xf32>, vector<16xi32> -> vector<16xf32>
        %add3A_318 = arith.addf %add3A_311, %gather3A_317 : vector<16xf32>
        %xor3A_319 = arith.constant 2 : i32
        %xor3A_320 = vector.broadcast %xor3A_319 : i32 to vector<16xi32>
        %xor3A_321 = arith.xori %iota3A, %xor3A_320 : vector<16xi32>
        %broadcast_in_dim3A_322 = vector.shape_cast %xor3A_321 : vector<16xi32> to vector<16x1xi32>
        %gather3A_323 = vector.shape_cast %broadcast_in_dim3A_322 : vector<16x1xi32> to vector<16xi32>
        %gather3A_324 = tpu.dynamic_gather %add3A_318[%gather3A_323] in [0] : vector<16xf32>, vector<16xi32> -> vector<16xf32>
        %add3A_325 = arith.addf %add3A_318, %gather3A_324 : vector<16xf32>
        %xor3A_326 = arith.constant 1 : i32
        %xor3A_327 = vector.broadcast %xor3A_326 : i32 to vector<16xi32>
        %xor3A_328 = arith.xori %iota3A, %xor3A_327 : vector<16xi32>
        %broadcast_in_dim3A_329 = vector.shape_cast %xor3A_328 : vector<16xi32> to vector<16x1xi32>
        %gather3A_330 = vector.shape_cast %broadcast_in_dim3A_329 : vector<16x1xi32> to vector<16xi32>
        %gather3A_331 = tpu.dynamic_gather %add3A_325[%gather3A_330] in [0] : vector<16xf32>, vector<16xi32> -> vector<16xf32>
        %add3A_332 = arith.addf %add3A_325, %gather3A_331 : vector<16xf32>
        %mul3A_333 = vector.broadcast %scan3A_34 : f32 to vector<16xf32>
        %mul3A_334 = arith.mulf %add3A_332, %mul3A_333 : vector<16xf32>
        %iota3A_335 = tpu.iota {dimensions = array<i32: 0>} : vector<16xi32>
        %xor3A_336 = arith.constant 8 : i32
        %xor3A_337 = vector.broadcast %xor3A_336 : i32 to vector<16xi32>
        %xor3A_338 = arith.xori %iota3A_335, %xor3A_337 : vector<16xi32>
        %broadcast_in_dim3A_339 = vector.shape_cast %xor3A_338 : vector<16xi32> to vector<16x1xi32>
        %gather3A_340 = vector.shape_cast %broadcast_in_dim3A_339 : vector<16x1xi32> to vector<16xi32>
        %gather3A_341 = tpu.dynamic_gather %add3A_307[%gather3A_340] in [0] : vector<16xf32>, vector<16xi32> -> vector<16xf32>
        %add3A_342 = arith.addf %add3A_307, %gather3A_341 : vector<16xf32>
        %xor3A_343 = arith.constant 4 : i32
        %xor3A_344 = vector.broadcast %xor3A_343 : i32 to vector<16xi32>
        %xor3A_345 = arith.xori %iota3A_335, %xor3A_344 : vector<16xi32>
        %broadcast_in_dim3A_346 = vector.shape_cast %xor3A_345 : vector<16xi32> to vector<16x1xi32>
        %gather3A_347 = vector.shape_cast %broadcast_in_dim3A_346 : vector<16x1xi32> to vector<16xi32>
        %gather3A_348 = tpu.dynamic_gather %add3A_342[%gather3A_347] in [0] : vector<16xf32>, vector<16xi32> -> vector<16xf32>
        %add3A_349 = arith.addf %add3A_342, %gather3A_348 : vector<16xf32>
        %xor3A_350 = arith.constant 2 : i32
        %xor3A_351 = vector.broadcast %xor3A_350 : i32 to vector<16xi32>
        %xor3A_352 = arith.xori %iota3A_335, %xor3A_351 : vector<16xi32>
        %broadcast_in_dim3A_353 = vector.shape_cast %xor3A_352 : vector<16xi32> to vector<16x1xi32>
        %gather3A_354 = vector.shape_cast %broadcast_in_dim3A_353 : vector<16x1xi32> to vector<16xi32>
        %gather3A_355 = tpu.dynamic_gather %add3A_349[%gather3A_354] in [0] : vector<16xf32>, vector<16xi32> -> vector<16xf32>
        %add3A_356 = arith.addf %add3A_349, %gather3A_355 : vector<16xf32>
        %xor3A_357 = arith.constant 1 : i32
        %xor3A_358 = vector.broadcast %xor3A_357 : i32 to vector<16xi32>
        %xor3A_359 = arith.xori %iota3A_335, %xor3A_358 : vector<16xi32>
        %broadcast_in_dim3A_360 = vector.shape_cast %xor3A_359 : vector<16xi32> to vector<16x1xi32>
        %gather3A_361 = vector.shape_cast %broadcast_in_dim3A_360 : vector<16x1xi32> to vector<16xi32>
        %gather3A_362 = tpu.dynamic_gather %add3A_356[%gather3A_361] in [0] : vector<16xf32>, vector<16xi32> -> vector<16xf32>
        %add3A_363 = arith.addf %add3A_356, %gather3A_362 : vector<16xf32>
        %mul3A_364 = vector.broadcast %scan3A_34 : f32 to vector<16xf32>
        %mul3A_365 = arith.mulf %add3A_363, %mul3A_364 : vector<16xf32>
        %mul3A_366 = arith.mulf %mul3A_334, %mul3A_334 : vector<16xf32>
        %sub3A = arith.subf %mul3A_365, %mul3A_366 : vector<16xf32>
        %add3A_367 = vector.broadcast %scan3A_35 : f32 to vector<16xf32>
        %add3A_368 = arith.addf %sub3A, %add3A_367 : vector<16xf32>
        %bitcast_convert_type3A = tpu.bitcast %add3A_368 : vector<16xf32> -> vector<16xi32>
        %shift_right_arithmetic3A = arith.constant 1 : i32
        %shift_right_arithmetic3A_369 = vector.broadcast %shift_right_arithmetic3A : i32 to vector<16xi32>
        %shift_right_arithmetic3A_370 = arith.shrsi %bitcast_convert_type3A, %shift_right_arithmetic3A_369 : vector<16xi32>
        %sub3A_371 = arith.constant 1597463007 : i32
        %sub3A_372 = vector.broadcast %sub3A_371 : i32 to vector<16xi32>
        %sub3A_373 = arith.subi %sub3A_372, %shift_right_arithmetic3A_370 : vector<16xi32>
        %bitcast_convert_type3A_374 = tpu.bitcast %sub3A_373 : vector<16xi32> -> vector<16xf32>
        %mul3A_375 = arith.constant 5.000000e-01 : f32
        %mul3A_376 = vector.broadcast %mul3A_375 : f32 to vector<16xf32>
        %mul3A_377 = arith.mulf %mul3A_376, %add3A_368 : vector<16xf32>
        %mul3A_378 = arith.mulf %mul3A_377, %bitcast_convert_type3A_374 : vector<16xf32>
        %mul3A_379 = arith.mulf %mul3A_378, %bitcast_convert_type3A_374 : vector<16xf32>
        %sub3A_380 = arith.constant 1.500000e+00 : f32
        %sub3A_381 = vector.broadcast %sub3A_380 : f32 to vector<16xf32>
        %sub3A_382 = arith.subf %sub3A_381, %mul3A_379 : vector<16xf32>
        %mul3A_383 = arith.mulf %bitcast_convert_type3A_374, %sub3A_382 : vector<16xf32>
        %mul3A_384 = arith.constant 5.000000e-01 : f32
        %mul3A_385 = vector.broadcast %mul3A_384 : f32 to vector<16xf32>
        %mul3A_386 = arith.mulf %mul3A_385, %add3A_368 : vector<16xf32>
        %mul3A_387 = arith.mulf %mul3A_386, %mul3A_383 : vector<16xf32>
        %mul3A_388 = arith.mulf %mul3A_387, %mul3A_383 : vector<16xf32>
        %sub3A_389 = arith.constant 1.500000e+00 : f32
        %sub3A_390 = vector.broadcast %sub3A_389 : f32 to vector<16xf32>
        %sub3A_391 = arith.subf %sub3A_390, %mul3A_388 : vector<16xf32>
        %mul3A_392 = arith.mulf %mul3A_383, %sub3A_391 : vector<16xf32>
        %mul3A_393 = arith.constant 5.000000e-01 : f32
        %mul3A_394 = vector.broadcast %mul3A_393 : f32 to vector<16xf32>
        %mul3A_395 = arith.mulf %mul3A_394, %add3A_368 : vector<16xf32>
        %mul3A_396 = arith.mulf %mul3A_395, %mul3A_392 : vector<16xf32>
        %mul3A_397 = arith.mulf %mul3A_396, %mul3A_392 : vector<16xf32>
        %sub3A_398 = arith.constant 1.500000e+00 : f32
        %sub3A_399 = vector.broadcast %sub3A_398 : f32 to vector<16xf32>
        %sub3A_400 = arith.subf %sub3A_399, %mul3A_397 : vector<16xf32>
        %mul3A_401 = arith.mulf %mul3A_392, %sub3A_400 : vector<16xf32>
        %sub3A_402 = arith.subf %add3A_222, %mul3A_334 : vector<16xf32>
        %mul3A_403 = arith.mulf %sub3A_402, %mul3A_401 : vector<16xf32>
        %mul3A_404 = arith.mulf %mul3A_403, %get3A_71 : vector<16xf32>
        %add3A_405 = arith.addf %mul3A_404, %get3A_95 : vector<16xf32>
        %swap3A = arith.index_cast %mul3A_211 : i32 to index
        %swap3A_406 = arith.constant 0 : index
        %swap3A_407 = tpu.vector_load %arg9[%swap3A, %swap3A_406] {strides = array<i32>} : memref<200x128xf32, #tpu.memory_space<vmem>>, vector<1x16xf32>,
        %swap3A_408 = vector.shape_cast %swap3A_407 : vector<1x16xf32> to vector<16xf32>
        %swap3A_409 = vector.shape_cast %add3A_405 : vector<16xf32> to vector<1x16xf32>
        tpu.vector_store %arg9[%swap3A, %swap3A_406], %swap3A_409 {strides = array<i32>} : memref<200x128xf32, #tpu.memory_space<vmem>>, vector<1x16xf32>,
        %sub3A_410 = arith.subf %add3A_231, %mul3A_334 : vector<16xf32>
        %mul3A_411 = arith.mulf %sub3A_410, %mul3A_401 : vector<16xf32>
        %mul3A_412 = arith.mulf %mul3A_411, %get3A_74 : vector<16xf32>
        %add3A_413 = arith.addf %mul3A_412, %get3A_98 : vector<16xf32>
        %swap3A_414 = arith.index_cast %mul3A_211 : i32 to index
        %swap3A_415 = arith.constant 16 : index
        %swap3A_416 = tpu.vector_load %arg9[%swap3A_414, %swap3A_415] {strides = array<i32>} : memref<200x128xf32, #tpu.memory_space<vmem>>, vector<1x16xf32>,
        %swap3A_417 = vector.shape_cast %swap3A_416 : vector<1x16xf32> to vector<16xf32>
        %swap3A_418 = vector.shape_cast %add3A_413 : vector<16xf32> to vector<1x16xf32>
        tpu.vector_store %arg9[%swap3A_414, %swap3A_415], %swap3A_418 {strides = array<i32>} : memref<200x128xf32, #tpu.memory_space<vmem>>, vector<1x16xf32>,
        %sub3A_419 = arith.subf %add3A_240, %mul3A_334 : vector<16xf32>
        %mul3A_420 = arith.mulf %sub3A_419, %mul3A_401 : vector<16xf32>
        %mul3A_421 = arith.mulf %mul3A_420, %get3A_77 : vector<16xf32>
        %add3A_422 = arith.addf %mul3A_421, %get3A_101 : vector<16xf32>
        %swap3A_423 = arith.index_cast %mul3A_211 : i32 to index
        %swap3A_424 = arith.constant 32 : index
        %swap3A_425 = tpu.vector_load %arg9[%swap3A_423, %swap3A_424] {strides = array<i32>} : memref<200x128xf32, #tpu.memory_space<vmem>>, vector<1x16xf32>,
        %swap3A_426 = vector.shape_cast %swap3A_425 : vector<1x16xf32> to vector<16xf32>
        %swap3A_427 = vector.shape_cast %add3A_422 : vector<16xf32> to vector<1x16xf32>
        tpu.vector_store %arg9[%swap3A_423, %swap3A_424], %swap3A_427 {strides = array<i32>} : memref<200x128xf32, #tpu.memory_space<vmem>>, vector<1x16xf32>,
        %sub3A_428 = arith.subf %add3A_249, %mul3A_334 : vector<16xf32>
        %mul3A_429 = arith.mulf %sub3A_428, %mul3A_401 : vector<16xf32>
        %mul3A_430 = arith.mulf %mul3A_429, %get3A_80 : vector<16xf32>
        %add3A_431 = arith.addf %mul3A_430, %get3A_104 : vector<16xf32>
        %swap3A_432 = arith.index_cast %mul3A_211 : i32 to index
        %swap3A_433 = arith.constant 48 : index
        %swap3A_434 = tpu.vector_load %arg9[%swap3A_432, %swap3A_433] {strides = array<i32>} : memref<200x128xf32, #tpu.memory_space<vmem>>, vector<1x16xf32>,
        %swap3A_435 = vector.shape_cast %swap3A_434 : vector<1x16xf32> to vector<16xf32>
        %swap3A_436 = vector.shape_cast %add3A_431 : vector<16xf32> to vector<1x16xf32>
        tpu.vector_store %arg9[%swap3A_432, %swap3A_433], %swap3A_436 {strides = array<i32>} : memref<200x128xf32, #tpu.memory_space<vmem>>, vector<1x16xf32>,
        %sub3A_437 = arith.subf %add3A_258, %mul3A_334 : vector<16xf32>
        %mul3A_438 = arith.mulf %sub3A_437, %mul3A_401 : vector<16xf32>
        %mul3A_439 = arith.mulf %mul3A_438, %get3A_83 : vector<16xf32>
        %add3A_440 = arith.addf %mul3A_439, %get3A_107 : vector<16xf32>
        %swap3A_441 = arith.index_cast %mul3A_211 : i32 to index
        %swap3A_442 = arith.constant 64 : index
        %swap3A_443 = tpu.vector_load %arg9[%swap3A_441, %swap3A_442] {strides = array<i32>} : memref<200x128xf32, #tpu.memory_space<vmem>>, vector<1x16xf32>,
        %swap3A_444 = vector.shape_cast %swap3A_443 : vector<1x16xf32> to vector<16xf32>
        %swap3A_445 = vector.shape_cast %add3A_440 : vector<16xf32> to vector<1x16xf32>
        tpu.vector_store %arg9[%swap3A_441, %swap3A_442], %swap3A_445 {strides = array<i32>} : memref<200x128xf32, #tpu.memory_space<vmem>>, vector<1x16xf32>,
        %sub3A_446 = arith.subf %add3A_267, %mul3A_334 : vector<16xf32>
        %mul3A_447 = arith.mulf %sub3A_446, %mul3A_401 : vector<16xf32>
        %mul3A_448 = arith.mulf %mul3A_447, %get3A_86 : vector<16xf32>
        %add3A_449 = arith.addf %mul3A_448, %get3A_110 : vector<16xf32>
        %swap3A_450 = arith.index_cast %mul3A_211 : i32 to index
        %swap3A_451 = arith.constant 80 : index
        %swap3A_452 = tpu.vector_load %arg9[%swap3A_450, %swap3A_451] {strides = array<i32>} : memref<200x128xf32, #tpu.memory_space<vmem>>, vector<1x16xf32>,
        %swap3A_453 = vector.shape_cast %swap3A_452 : vector<1x16xf32> to vector<16xf32>
        %swap3A_454 = vector.shape_cast %add3A_449 : vector<16xf32> to vector<1x16xf32>
        tpu.vector_store %arg9[%swap3A_450, %swap3A_451], %swap3A_454 {strides = array<i32>} : memref<200x128xf32, #tpu.memory_space<vmem>>, vector<1x16xf32>,
        %sub3A_455 = arith.subf %add3A_276, %mul3A_334 : vector<16xf32>
        %mul3A_456 = arith.mulf %sub3A_455, %mul3A_401 : vector<16xf32>
        %mul3A_457 = arith.mulf %mul3A_456, %get3A_89 : vector<16xf32>
        %add3A_458 = arith.addf %mul3A_457, %get3A_113 : vector<16xf32>
        %swap3A_459 = arith.index_cast %mul3A_211 : i32 to index
        %swap3A_460 = arith.constant 96 : index
        %swap3A_461 = tpu.vector_load %arg9[%swap3A_459, %swap3A_460] {strides = array<i32>} : memref<200x128xf32, #tpu.memory_space<vmem>>, vector<1x16xf32>,
        %swap3A_462 = vector.shape_cast %swap3A_461 : vector<1x16xf32> to vector<16xf32>
        %swap3A_463 = vector.shape_cast %add3A_458 : vector<16xf32> to vector<1x16xf32>
        tpu.vector_store %arg9[%swap3A_459, %swap3A_460], %swap3A_463 {strides = array<i32>} : memref<200x128xf32, #tpu.memory_space<vmem>>, vector<1x16xf32>,
        %sub3A_464 = arith.subf %add3A_285, %mul3A_334 : vector<16xf32>
        %mul3A_465 = arith.mulf %sub3A_464, %mul3A_401 : vector<16xf32>
        %mul3A_466 = arith.mulf %mul3A_465, %get3A_92 : vector<16xf32>
        %add3A_467 = arith.addf %mul3A_466, %get3A_116 : vector<16xf32>
        %swap3A_468 = arith.index_cast %mul3A_211 : i32 to index
        %swap3A_469 = arith.constant 112 : index
        %swap3A_470 = tpu.vector_load %arg9[%swap3A_468, %swap3A_469] {strides = array<i32>} : memref<200x128xf32, #tpu.memory_space<vmem>>, vector<1x16xf32>,
        %swap3A_471 = vector.shape_cast %swap3A_470 : vector<1x16xf32> to vector<16xf32>
        %swap3A_472 = vector.shape_cast %add3A_467 : vector<16xf32> to vector<1x16xf32>
        tpu.vector_store %arg9[%swap3A_468, %swap3A_469], %swap3A_472 {strides = array<i32>} : memref<200x128xf32, #tpu.memory_space<vmem>>, vector<1x16xf32>,
        %get3A_473 = arith.index_cast %add3A_213 : i32 to index
        %get3A_474 = arith.constant 0 : index
        %get3A_475 = tpu.vector_load %arg9[%get3A_473, %get3A_474] {strides = array<i32>} : memref<200x128xf32, #tpu.memory_space<vmem>>, vector<1x16xf32>,
        %get3A_476 = vector.shape_cast %get3A_475 : vector<1x16xf32> to vector<16xf32>
        %get3A_477 = arith.index_cast %add3A_213 : i32 to index
        %get3A_478 = arith.constant 0 : index
        %get3A_479 = tpu.vector_load %arg11[%get3A_477, %get3A_478] {strides = array<i32>} : memref<200x128xf32, #tpu.memory_space<vmem>>, vector<1x16xf32>,
        %get3A_480 = vector.shape_cast %get3A_479 : vector<1x16xf32> to vector<16xf32>
        %add3A_481 = arith.addf %get3A_476, %get3A_480 : vector<16xf32>
        %get3A_482 = arith.index_cast %add3A_213 : i32 to index
        %get3A_483 = arith.constant 16 : index
        %get3A_484 = tpu.vector_load %arg9[%get3A_482, %get3A_483] {strides = array<i32>} : memref<200x128xf32, #tpu.memory_space<vmem>>, vector<1x16xf32>,
        %get3A_485 = vector.shape_cast %get3A_484 : vector<1x16xf32> to vector<16xf32>
        %get3A_486 = arith.index_cast %add3A_213 : i32 to index
        %get3A_487 = arith.constant 16 : index
        %get3A_488 = tpu.vector_load %arg11[%get3A_486, %get3A_487] {strides = array<i32>} : memref<200x128xf32, #tpu.memory_space<vmem>>, vector<1x16xf32>,
        %get3A_489 = vector.shape_cast %get3A_488 : vector<1x16xf32> to vector<16xf32>
        %add3A_490 = arith.addf %get3A_485, %get3A_489 : vector<16xf32>
        %get3A_491 = arith.index_cast %add3A_213 : i32 to index
        %get3A_492 = arith.constant 32 : index
        %get3A_493 = tpu.vector_load %arg9[%get3A_491, %get3A_492] {strides = array<i32>} : memref<200x128xf32, #tpu.memory_space<vmem>>, vector<1x16xf32>,
        %get3A_494 = vector.shape_cast %get3A_493 : vector<1x16xf32> to vector<16xf32>
        %get3A_495 = arith.index_cast %add3A_213 : i32 to index
        %get3A_496 = arith.constant 32 : index
        %get3A_497 = tpu.vector_load %arg11[%get3A_495, %get3A_496] {strides = array<i32>} : memref<200x128xf32, #tpu.memory_space<vmem>>, vector<1x16xf32>,
        %get3A_498 = vector.shape_cast %get3A_497 : vector<1x16xf32> to vector<16xf32>
        %add3A_499 = arith.addf %get3A_494, %get3A_498 : vector<16xf32>
        %get3A_500 = arith.index_cast %add3A_213 : i32 to index
        %get3A_501 = arith.constant 48 : index
        %get3A_502 = tpu.vector_load %arg9[%get3A_500, %get3A_501] {strides = array<i32>} : memref<200x128xf32, #tpu.memory_space<vmem>>, vector<1x16xf32>,
        %get3A_503 = vector.shape_cast %get3A_502 : vector<1x16xf32> to vector<16xf32>
        %get3A_504 = arith.index_cast %add3A_213 : i32 to index
        %get3A_505 = arith.constant 48 : index
        %get3A_506 = tpu.vector_load %arg11[%get3A_504, %get3A_505] {strides = array<i32>} : memref<200x128xf32, #tpu.memory_space<vmem>>, vector<1x16xf32>,
        %get3A_507 = vector.shape_cast %get3A_506 : vector<1x16xf32> to vector<16xf32>
        %add3A_508 = arith.addf %get3A_503, %get3A_507 : vector<16xf32>
        %get3A_509 = arith.index_cast %add3A_213 : i32 to index
        %get3A_510 = arith.constant 64 : index
        %get3A_511 = tpu.vector_load %arg9[%get3A_509, %get3A_510] {strides = array<i32>} : memref<200x128xf32, #tpu.memory_space<vmem>>, vector<1x16xf32>,
        %get3A_512 = vector.shape_cast %get3A_511 : vector<1x16xf32> to vector<16xf32>
        %get3A_513 = arith.index_cast %add3A_213 : i32 to index
        %get3A_514 = arith.constant 64 : index
        %get3A_515 = tpu.vector_load %arg11[%get3A_513, %get3A_514] {strides = array<i32>} : memref<200x128xf32, #tpu.memory_space<vmem>>, vector<1x16xf32>,
        %get3A_516 = vector.shape_cast %get3A_515 : vector<1x16xf32> to vector<16xf32>
        %add3A_517 = arith.addf %get3A_512, %get3A_516 : vector<16xf32>
        %get3A_518 = arith.index_cast %add3A_213 : i32 to index
        %get3A_519 = arith.constant 80 : index
        %get3A_520 = tpu.vector_load %arg9[%get3A_518, %get3A_519] {strides = array<i32>} : memref<200x128xf32, #tpu.memory_space<vmem>>, vector<1x16xf32>,
        %get3A_521 = vector.shape_cast %get3A_520 : vector<1x16xf32> to vector<16xf32>
        %get3A_522 = arith.index_cast %add3A_213 : i32 to index
        %get3A_523 = arith.constant 80 : index
        %get3A_524 = tpu.vector_load %arg11[%get3A_522, %get3A_523] {strides = array<i32>} : memref<200x128xf32, #tpu.memory_space<vmem>>, vector<1x16xf32>,
        %get3A_525 = vector.shape_cast %get3A_524 : vector<1x16xf32> to vector<16xf32>
        %add3A_526 = arith.addf %get3A_521, %get3A_525 : vector<16xf32>
        %get3A_527 = arith.index_cast %add3A_213 : i32 to index
        %get3A_528 = arith.constant 96 : index
        %get3A_529 = tpu.vector_load %arg9[%get3A_527, %get3A_528] {strides = array<i32>} : memref<200x128xf32, #tpu.memory_space<vmem>>, vector<1x16xf32>,
        %get3A_530 = vector.shape_cast %get3A_529 : vector<1x16xf32> to vector<16xf32>
        %get3A_531 = arith.index_cast %add3A_213 : i32 to index
        %get3A_532 = arith.constant 96 : index
        %get3A_533 = tpu.vector_load %arg11[%get3A_531, %get3A_532] {strides = array<i32>} : memref<200x128xf32, #tpu.memory_space<vmem>>, vector<1x16xf32>,
        %get3A_534 = vector.shape_cast %get3A_533 : vector<1x16xf32> to vector<16xf32>
        %add3A_535 = arith.addf %get3A_530, %get3A_534 : vector<16xf32>
        %get3A_536 = arith.index_cast %add3A_213 : i32 to index
        %get3A_537 = arith.constant 112 : index
        %get3A_538 = tpu.vector_load %arg9[%get3A_536, %get3A_537] {strides = array<i32>} : memref<200x128xf32, #tpu.memory_space<vmem>>, vector<1x16xf32>,
        %get3A_539 = vector.shape_cast %get3A_538 : vector<1x16xf32> to vector<16xf32>
        %get3A_540 = arith.index_cast %add3A_213 : i32 to index
        %get3A_541 = arith.constant 112 : index
        %get3A_542 = tpu.vector_load %arg11[%get3A_540, %get3A_541] {strides = array<i32>} : memref<200x128xf32, #tpu.memory_space<vmem>>, vector<1x16xf32>,
        %get3A_543 = vector.shape_cast %get3A_542 : vector<1x16xf32> to vector<16xf32>
        %add3A_544 = arith.addf %get3A_539, %get3A_543 : vector<16xf32>
        %mul3A_545 = arith.mulf %add3A_481, %add3A_481 : vector<16xf32>
        %add3A_546 = arith.addf %add3A_481, %add3A_490 : vector<16xf32>
        %mul3A_547 = arith.mulf %add3A_490, %add3A_490 : vector<16xf32>
        %add3A_548 = arith.addf %mul3A_545, %mul3A_547 : vector<16xf32>
        %add3A_549 = arith.addf %add3A_546, %add3A_499 : vector<16xf32>
        %mul3A_550 = arith.mulf %add3A_499, %add3A_499 : vector<16xf32>
        %add3A_551 = arith.addf %add3A_548, %mul3A_550 : vector<16xf32>
        %add3A_552 = arith.addf %add3A_549, %add3A_508 : vector<16xf32>
        %mul3A_553 = arith.mulf %add3A_508, %add3A_508 : vector<16xf32>
        %add3A_554 = arith.addf %add3A_551, %mul3A_553 : vector<16xf32>
        %add3A_555 = arith.addf %add3A_552, %add3A_517 : vector<16xf32>
        %mul3A_556 = arith.mulf %add3A_517, %add3A_517 : vector<16xf32>
        %add3A_557 = arith.addf %add3A_554, %mul3A_556 : vector<16xf32>
        %add3A_558 = arith.addf %add3A_555, %add3A_526 : vector<16xf32>
        %mul3A_559 = arith.mulf %add3A_526, %add3A_526 : vector<16xf32>
        %add3A_560 = arith.addf %add3A_557, %mul3A_559 : vector<16xf32>
        %add3A_561 = arith.addf %add3A_558, %add3A_535 : vector<16xf32>
        %mul3A_562 = arith.mulf %add3A_535, %add3A_535 : vector<16xf32>
        %add3A_563 = arith.addf %add3A_560, %mul3A_562 : vector<16xf32>
        %add3A_564 = arith.addf %add3A_561, %add3A_544 : vector<16xf32>
        %mul3A_565 = arith.mulf %add3A_544, %add3A_544 : vector<16xf32>
        %add3A_566 = arith.addf %add3A_563, %mul3A_565 : vector<16xf32>
        %iota3A_567 = tpu.iota {dimensions = array<i32: 0>} : vector<16xi32>
        %xor3A_568 = arith.constant 8 : i32
        %xor3A_569 = vector.broadcast %xor3A_568 : i32 to vector<16xi32>
        %xor3A_570 = arith.xori %iota3A_567, %xor3A_569 : vector<16xi32>
        %broadcast_in_dim3A_571 = vector.shape_cast %xor3A_570 : vector<16xi32> to vector<16x1xi32>
        %gather3A_572 = vector.shape_cast %broadcast_in_dim3A_571 : vector<16x1xi32> to vector<16xi32>
        %gather3A_573 = tpu.dynamic_gather %add3A_564[%gather3A_572] in [0] : vector<16xf32>, vector<16xi32> -> vector<16xf32>
        %add3A_574 = arith.addf %add3A_564, %gather3A_573 : vector<16xf32>
        %xor3A_575 = arith.constant 4 : i32
        %xor3A_576 = vector.broadcast %xor3A_575 : i32 to vector<16xi32>
        %xor3A_577 = arith.xori %iota3A_567, %xor3A_576 : vector<16xi32>
        %broadcast_in_dim3A_578 = vector.shape_cast %xor3A_577 : vector<16xi32> to vector<16x1xi32>
        %gather3A_579 = vector.shape_cast %broadcast_in_dim3A_578 : vector<16x1xi32> to vector<16xi32>
        %gather3A_580 = tpu.dynamic_gather %add3A_574[%gather3A_579] in [0] : vector<16xf32>, vector<16xi32> -> vector<16xf32>
        %add3A_581 = arith.addf %add3A_574, %gather3A_580 : vector<16xf32>
        %xor3A_582 = arith.constant 2 : i32
        %xor3A_583 = vector.broadcast %xor3A_582 : i32 to vector<16xi32>
        %xor3A_584 = arith.xori %iota3A_567, %xor3A_583 : vector<16xi32>
        %broadcast_in_dim3A_585 = vector.shape_cast %xor3A_584 : vector<16xi32> to vector<16x1xi32>
        %gather3A_586 = vector.shape_cast %broadcast_in_dim3A_585 : vector<16x1xi32> to vector<16xi32>
        %gather3A_587 = tpu.dynamic_gather %add3A_581[%gather3A_586] in [0] : vector<16xf32>, vector<16xi32> -> vector<16xf32>
        %add3A_588 = arith.addf %add3A_581, %gather3A_587 : vector<16xf32>
        %xor3A_589 = arith.constant 1 : i32
        %xor3A_590 = vector.broadcast %xor3A_589 : i32 to vector<16xi32>
        %xor3A_591 = arith.xori %iota3A_567, %xor3A_590 : vector<16xi32>
        %broadcast_in_dim3A_592 = vector.shape_cast %xor3A_591 : vector<16xi32> to vector<16x1xi32>
        %gather3A_593 = vector.shape_cast %broadcast_in_dim3A_592 : vector<16x1xi32> to vector<16xi32>
        %gather3A_594 = tpu.dynamic_gather %add3A_588[%gather3A_593] in [0] : vector<16xf32>, vector<16xi32> -> vector<16xf32>
        %add3A_595 = arith.addf %add3A_588, %gather3A_594 : vector<16xf32>
        %mul3A_596 = vector.broadcast %scan3A_34 : f32 to vector<16xf32>
        %mul3A_597 = arith.mulf %add3A_595, %mul3A_596 : vector<16xf32>
        %iota3A_598 = tpu.iota {dimensions = array<i32: 0>} : vector<16xi32>
        %xor3A_599 = arith.constant 8 : i32
        %xor3A_600 = vector.broadcast %xor3A_599 : i32 to vector<16xi32>
        %xor3A_601 = arith.xori %iota3A_598, %xor3A_600 : vector<16xi32>
        %broadcast_in_dim3A_602 = vector.shape_cast %xor3A_601 : vector<16xi32> to vector<16x1xi32>
        %gather3A_603 = vector.shape_cast %broadcast_in_dim3A_602 : vector<16x1xi32> to vector<16xi32>
        %gather3A_604 = tpu.dynamic_gather %add3A_566[%gather3A_603] in [0] : vector<16xf32>, vector<16xi32> -> vector<16xf32>
        %add3A_605 = arith.addf %add3A_566, %gather3A_604 : vector<16xf32>
        %xor3A_606 = arith.constant 4 : i32
        %xor3A_607 = vector.broadcast %xor3A_606 : i32 to vector<16xi32>
        %xor3A_608 = arith.xori %iota3A_598, %xor3A_607 : vector<16xi32>
        %broadcast_in_dim3A_609 = vector.shape_cast %xor3A_608 : vector<16xi32> to vector<16x1xi32>
        %gather3A_610 = vector.shape_cast %broadcast_in_dim3A_609 : vector<16x1xi32> to vector<16xi32>
        %gather3A_611 = tpu.dynamic_gather %add3A_605[%gather3A_610] in [0] : vector<16xf32>, vector<16xi32> -> vector<16xf32>
        %add3A_612 = arith.addf %add3A_605, %gather3A_611 : vector<16xf32>
        %xor3A_613 = arith.constant 2 : i32
        %xor3A_614 = vector.broadcast %xor3A_613 : i32 to vector<16xi32>
        %xor3A_615 = arith.xori %iota3A_598, %xor3A_614 : vector<16xi32>
        %broadcast_in_dim3A_616 = vector.shape_cast %xor3A_615 : vector<16xi32> to vector<16x1xi32>
        %gather3A_617 = vector.shape_cast %broadcast_in_dim3A_616 : vector<16x1xi32> to vector<16xi32>
        %gather3A_618 = tpu.dynamic_gather %add3A_612[%gather3A_617] in [0] : vector<16xf32>, vector<16xi32> -> vector<16xf32>
        %add3A_619 = arith.addf %add3A_612, %gather3A_618 : vector<16xf32>
        %xor3A_620 = arith.constant 1 : i32
        %xor3A_621 = vector.broadcast %xor3A_620 : i32 to vector<16xi32>
        %xor3A_622 = arith.xori %iota3A_598, %xor3A_621 : vector<16xi32>
        %broadcast_in_dim3A_623 = vector.shape_cast %xor3A_622 : vector<16xi32> to vector<16x1xi32>
        %gather3A_624 = vector.shape_cast %broadcast_in_dim3A_623 : vector<16x1xi32> to vector<16xi32>
        %gather3A_625 = tpu.dynamic_gather %add3A_619[%gather3A_624] in [0] : vector<16xf32>, vector<16xi32> -> vector<16xf32>
        %add3A_626 = arith.addf %add3A_619, %gather3A_625 : vector<16xf32>
        %mul3A_627 = vector.broadcast %scan3A_34 : f32 to vector<16xf32>
        %mul3A_628 = arith.mulf %add3A_626, %mul3A_627 : vector<16xf32>
        %mul3A_629 = arith.mulf %mul3A_597, %mul3A_597 : vector<16xf32>
        %sub3A_630 = arith.subf %mul3A_628, %mul3A_629 : vector<16xf32>
        %add3A_631 = vector.broadcast %scan3A_35 : f32 to vector<16xf32>
        %add3A_632 = arith.addf %sub3A_630, %add3A_631 : vector<16xf32>
        %bitcast_convert_type3A_633 = tpu.bitcast %add3A_632 : vector<16xf32> -> vector<16xi32>
        %shift_right_arithmetic3A_634 = arith.constant 1 : i32
        %shift_right_arithmetic3A_635 = vector.broadcast %shift_right_arithmetic3A_634 : i32 to vector<16xi32>
        %shift_right_arithmetic3A_636 = arith.shrsi %bitcast_convert_type3A_633, %shift_right_arithmetic3A_635 : vector<16xi32>
        %sub3A_637 = arith.constant 1597463007 : i32
        %sub3A_638 = vector.broadcast %sub3A_637 : i32 to vector<16xi32>
        %sub3A_639 = arith.subi %sub3A_638, %shift_right_arithmetic3A_636 : vector<16xi32>
        %bitcast_convert_type3A_640 = tpu.bitcast %sub3A_639 : vector<16xi32> -> vector<16xf32>
        %mul3A_641 = arith.constant 5.000000e-01 : f32
        %mul3A_642 = vector.broadcast %mul3A_641 : f32 to vector<16xf32>
        %mul3A_643 = arith.mulf %mul3A_642, %add3A_632 : vector<16xf32>
        %mul3A_644 = arith.mulf %mul3A_643, %bitcast_convert_type3A_640 : vector<16xf32>
        %mul3A_645 = arith.mulf %mul3A_644, %bitcast_convert_type3A_640 : vector<16xf32>
        %sub3A_646 = arith.constant 1.500000e+00 : f32
        %sub3A_647 = vector.broadcast %sub3A_646 : f32 to vector<16xf32>
        %sub3A_648 = arith.subf %sub3A_647, %mul3A_645 : vector<16xf32>
        %mul3A_649 = arith.mulf %bitcast_convert_type3A_640, %sub3A_648 : vector<16xf32>
        %mul3A_650 = arith.constant 5.000000e-01 : f32
        %mul3A_651 = vector.broadcast %mul3A_650 : f32 to vector<16xf32>
        %mul3A_652 = arith.mulf %mul3A_651, %add3A_632 : vector<16xf32>
        %mul3A_653 = arith.mulf %mul3A_652, %mul3A_649 : vector<16xf32>
        %mul3A_654 = arith.mulf %mul3A_653, %mul3A_649 : vector<16xf32>
        %sub3A_655 = arith.constant 1.500000e+00 : f32
        %sub3A_656 = vector.broadcast %sub3A_655 : f32 to vector<16xf32>
        %sub3A_657 = arith.subf %sub3A_656, %mul3A_654 : vector<16xf32>
        %mul3A_658 = arith.mulf %mul3A_649, %sub3A_657 : vector<16xf32>
        %mul3A_659 = arith.constant 5.000000e-01 : f32
        %mul3A_660 = vector.broadcast %mul3A_659 : f32 to vector<16xf32>
        %mul3A_661 = arith.mulf %mul3A_660, %add3A_632 : vector<16xf32>
        %mul3A_662 = arith.mulf %mul3A_661, %mul3A_658 : vector<16xf32>
        %mul3A_663 = arith.mulf %mul3A_662, %mul3A_658 : vector<16xf32>
        %sub3A_664 = arith.constant 1.500000e+00 : f32
        %sub3A_665 = vector.broadcast %sub3A_664 : f32 to vector<16xf32>
        %sub3A_666 = arith.subf %sub3A_665, %mul3A_663 : vector<16xf32>
        %mul3A_667 = arith.mulf %mul3A_658, %sub3A_666 : vector<16xf32>
        %sub3A_668 = arith.subf %add3A_481, %mul3A_597 : vector<16xf32>
        %mul3A_669 = arith.mulf %sub3A_668, %mul3A_667 : vector<16xf32>
        %mul3A_670 = arith.mulf %mul3A_669, %get3A_71 : vector<16xf32>
        %add3A_671 = arith.addf %mul3A_670, %get3A_95 : vector<16xf32>
        %swap3A_672 = arith.index_cast %add3A_213 : i32 to index
        %swap3A_673 = arith.constant 0 : index
        %swap3A_674 = tpu.vector_load %arg9[%swap3A_672, %swap3A_673] {strides = array<i32>} : memref<200x128xf32, #tpu.memory_space<vmem>>, vector<1x16xf32>,
        %swap3A_675 = vector.shape_cast %swap3A_674 : vector<1x16xf32> to vector<16xf32>
        %swap3A_676 = vector.shape_cast %add3A_671 : vector<16xf32> to vector<1x16xf32>
        tpu.vector_store %arg9[%swap3A_672, %swap3A_673], %swap3A_676 {strides = array<i32>} : memref<200x128xf32, #tpu.memory_space<vmem>>, vector<1x16xf32>,
        %sub3A_677 = arith.subf %add3A_490, %mul3A_597 : vector<16xf32>
        %mul3A_678 = arith.mulf %sub3A_677, %mul3A_667 : vector<16xf32>
        %mul3A_679 = arith.mulf %mul3A_678, %get3A_74 : vector<16xf32>
        %add3A_680 = arith.addf %mul3A_679, %get3A_98 : vector<16xf32>
        %swap3A_681 = arith.index_cast %add3A_213 : i32 to index
        %swap3A_682 = arith.constant 16 : index
        %swap3A_683 = tpu.vector_load %arg9[%swap3A_681, %swap3A_682] {strides = array<i32>} : memref<200x128xf32, #tpu.memory_space<vmem>>, vector<1x16xf32>,
        %swap3A_684 = vector.shape_cast %swap3A_683 : vector<1x16xf32> to vector<16xf32>
        %swap3A_685 = vector.shape_cast %add3A_680 : vector<16xf32> to vector<1x16xf32>
        tpu.vector_store %arg9[%swap3A_681, %swap3A_682], %swap3A_685 {strides = array<i32>} : memref<200x128xf32, #tpu.memory_space<vmem>>, vector<1x16xf32>,
        %sub3A_686 = arith.subf %add3A_499, %mul3A_597 : vector<16xf32>
        %mul3A_687 = arith.mulf %sub3A_686, %mul3A_667 : vector<16xf32>
        %mul3A_688 = arith.mulf %mul3A_687, %get3A_77 : vector<16xf32>
        %add3A_689 = arith.addf %mul3A_688, %get3A_101 : vector<16xf32>
        %swap3A_690 = arith.index_cast %add3A_213 : i32 to index
        %swap3A_691 = arith.constant 32 : index
        %swap3A_692 = tpu.vector_load %arg9[%swap3A_690, %swap3A_691] {strides = array<i32>} : memref<200x128xf32, #tpu.memory_space<vmem>>, vector<1x16xf32>,
        %swap3A_693 = vector.shape_cast %swap3A_692 : vector<1x16xf32> to vector<16xf32>
        %swap3A_694 = vector.shape_cast %add3A_689 : vector<16xf32> to vector<1x16xf32>
        tpu.vector_store %arg9[%swap3A_690, %swap3A_691], %swap3A_694 {strides = array<i32>} : memref<200x128xf32, #tpu.memory_space<vmem>>, vector<1x16xf32>,
        %sub3A_695 = arith.subf %add3A_508, %mul3A_597 : vector<16xf32>
        %mul3A_696 = arith.mulf %sub3A_695, %mul3A_667 : vector<16xf32>
        %mul3A_697 = arith.mulf %mul3A_696, %get3A_80 : vector<16xf32>
        %add3A_698 = arith.addf %mul3A_697, %get3A_104 : vector<16xf32>
        %swap3A_699 = arith.index_cast %add3A_213 : i32 to index
        %swap3A_700 = arith.constant 48 : index
        %swap3A_701 = tpu.vector_load %arg9[%swap3A_699, %swap3A_700] {strides = array<i32>} : memref<200x128xf32, #tpu.memory_space<vmem>>, vector<1x16xf32>,
        %swap3A_702 = vector.shape_cast %swap3A_701 : vector<1x16xf32> to vector<16xf32>
        %swap3A_703 = vector.shape_cast %add3A_698 : vector<16xf32> to vector<1x16xf32>
        tpu.vector_store %arg9[%swap3A_699, %swap3A_700], %swap3A_703 {strides = array<i32>} : memref<200x128xf32, #tpu.memory_space<vmem>>, vector<1x16xf32>,
        %sub3A_704 = arith.subf %add3A_517, %mul3A_597 : vector<16xf32>
        %mul3A_705 = arith.mulf %sub3A_704, %mul3A_667 : vector<16xf32>
        %mul3A_706 = arith.mulf %mul3A_705, %get3A_83 : vector<16xf32>
        %add3A_707 = arith.addf %mul3A_706, %get3A_107 : vector<16xf32>
        %swap3A_708 = arith.index_cast %add3A_213 : i32 to index
        %swap3A_709 = arith.constant 64 : index
        %swap3A_710 = tpu.vector_load %arg9[%swap3A_708, %swap3A_709] {strides = array<i32>} : memref<200x128xf32, #tpu.memory_space<vmem>>, vector<1x16xf32>,
        %swap3A_711 = vector.shape_cast %swap3A_710 : vector<1x16xf32> to vector<16xf32>
        %swap3A_712 = vector.shape_cast %add3A_707 : vector<16xf32> to vector<1x16xf32>
        tpu.vector_store %arg9[%swap3A_708, %swap3A_709], %swap3A_712 {strides = array<i32>} : memref<200x128xf32, #tpu.memory_space<vmem>>, vector<1x16xf32>,
        %sub3A_713 = arith.subf %add3A_526, %mul3A_597 : vector<16xf32>
        %mul3A_714 = arith.mulf %sub3A_713, %mul3A_667 : vector<16xf32>
        %mul3A_715 = arith.mulf %mul3A_714, %get3A_86 : vector<16xf32>
        %add3A_716 = arith.addf %mul3A_715, %get3A_110 : vector<16xf32>
        %swap3A_717 = arith.index_cast %add3A_213 : i32 to index
        %swap3A_718 = arith.constant 80 : index
        %swap3A_719 = tpu.vector_load %arg9[%swap3A_717, %swap3A_718] {strides = array<i32>} : memref<200x128xf32, #tpu.memory_space<vmem>>, vector<1x16xf32>,
        %swap3A_720 = vector.shape_cast %swap3A_719 : vector<1x16xf32> to vector<16xf32>
        %swap3A_721 = vector.shape_cast %add3A_716 : vector<16xf32> to vector<1x16xf32>
        tpu.vector_store %arg9[%swap3A_717, %swap3A_718], %swap3A_721 {strides = array<i32>} : memref<200x128xf32, #tpu.memory_space<vmem>>, vector<1x16xf32>,
        %sub3A_722 = arith.subf %add3A_535, %mul3A_597 : vector<16xf32>
        %mul3A_723 = arith.mulf %sub3A_722, %mul3A_667 : vector<16xf32>
        %mul3A_724 = arith.mulf %mul3A_723, %get3A_89 : vector<16xf32>
        %add3A_725 = arith.addf %mul3A_724, %get3A_113 : vector<16xf32>
        %swap3A_726 = arith.index_cast %add3A_213 : i32 to index
        %swap3A_727 = arith.constant 96 : index
        %swap3A_728 = tpu.vector_load %arg9[%swap3A_726, %swap3A_727] {strides = array<i32>} : memref<200x128xf32, #tpu.memory_space<vmem>>, vector<1x16xf32>,
        %swap3A_729 = vector.shape_cast %swap3A_728 : vector<1x16xf32> to vector<16xf32>
        %swap3A_730 = vector.shape_cast %add3A_725 : vector<16xf32> to vector<1x16xf32>
        tpu.vector_store %arg9[%swap3A_726, %swap3A_727], %swap3A_730 {strides = array<i32>} : memref<200x128xf32, #tpu.memory_space<vmem>>, vector<1x16xf32>,
        %sub3A_731 = arith.subf %add3A_544, %mul3A_597 : vector<16xf32>
        %mul3A_732 = arith.mulf %sub3A_731, %mul3A_667 : vector<16xf32>
        %mul3A_733 = arith.mulf %mul3A_732, %get3A_92 : vector<16xf32>
        %add3A_734 = arith.addf %mul3A_733, %get3A_116 : vector<16xf32>
        %swap3A_735 = arith.index_cast %add3A_213 : i32 to index
        %swap3A_736 = arith.constant 112 : index
        %swap3A_737 = tpu.vector_load %arg9[%swap3A_735, %swap3A_736] {strides = array<i32>} : memref<200x128xf32, #tpu.memory_space<vmem>>, vector<1x16xf32>,
        %swap3A_738 = vector.shape_cast %swap3A_737 : vector<1x16xf32> to vector<16xf32>
        %swap3A_739 = vector.shape_cast %add3A_734 : vector<16xf32> to vector<1x16xf32>
        tpu.vector_store %arg9[%swap3A_735, %swap3A_736], %swap3A_739 {strides = array<i32>} : memref<200x128xf32, #tpu.memory_space<vmem>>, vector<1x16xf32>,
      }
      %scan3A_121 = arith.constant 100 : i32
      %mul3A_122 = arith.constant 200 : i32
      %mul3A_123 = arith.muli %add3A_57, %mul3A_122 : i32
      %dma_start3A_124 = arith.constant 0 : i32
      %dma_start3A_125 = tpu.memref_slice %arg7[%mul3A_123, %dma_start3A_124] : memref<819200x128xf32, #tpu.memory_space<hbm>> -> memref<200x128xf32, #tpu.memory_space<hbm>>
      %dma_start3A_126 = arith.constant 0 : i32
      %dma_start3A_127 = tpu.memref_slice %arg7[%mul3A_123, %dma_start3A_126] : memref<819200x128xf32, #tpu.memory_space<hbm>> -> memref<200x128xf32, #tpu.memory_space<hbm>>
      tpu.enqueue_dma source(%arg9 : memref<200x128xf32, #tpu.memory_space<vmem>>) target(%dma_start3A_127 : memref<200x128xf32, #tpu.memory_space<hbm>>) target_semaphore(%arg16 : memref<!tpu.dma_semaphore, #tpu.memory_space<semaphore_mem>>)
      %mul3A_128 = arith.constant 2 : i32
      %mul3A_129 = arith.muli %scan3A_52, %mul3A_128 : i32
      %add3A_130 = arith.constant 1 : i32
      %add3A_131 = arith.addi %mul3A_129, %add3A_130 : i32
      %add3A_132 = arith.addi %mul3A_2, %add3A_131 : i32
      %lt3A_133 = arith.constant 127 : i32
      %lt3A_134 = arith.cmpi slt, %add3A_131, %lt3A_133 : i32
      %ge3A_135 = arith.constant 1 : i32
      %ge3A_136 = arith.cmpi sge, %add3A_131, %ge3A_135 : i32
      %and3A_137 = arith.andi %lt3A_134, %ge3A_136 : i1
      %convert_element_type3A_138 = arith.extui %and3A_137 : i1 to i32
      %cond3A_139 = arith.constant 0 : i32
      %cond3A_140 = arith.cmpi ne, %convert_element_type3A_138, %cond3A_139 : i32
      scf.if %cond3A_140 {
        %dma_wait3A_209 = arith.constant 0 : i32
        %dma_wait3A_210 = arith.constant 0 : i32
        %dma_wait3A_211 = tpu.memref_slice %arg3[%dma_wait3A_209, %dma_wait3A_210] : memref<100000x128xf32, #tpu.memory_space<hbm>> -> memref<200x128xf32, #tpu.memory_space<hbm>>
        %dma_wait3A_212 = arith.constant 0 : i32
        %dma_wait3A_213 = arith.constant 0 : i32
        %dma_wait3A_214 = tpu.memref_slice %arg3[%dma_wait3A_212, %dma_wait3A_213] : memref<100000x128xf32, #tpu.memory_space<hbm>> -> memref<200x128xf32, #tpu.memory_space<hbm>>
        tpu.wait_dma2 semaphore(%arg16 : memref<!tpu.dma_semaphore, #tpu.memory_space<semaphore_mem>>) src(%dma_wait3A_214 : memref<200x128xf32, #tpu.memory_space<hbm>>) dst(%arg9 : memref<200x128xf32, #tpu.memory_space<vmem>>)
      } else {
      }
      %convert_element_type3A_141 = arith.extui %lt3A_134 : i1 to i32
      %cond3A_142 = arith.constant 0 : i32
      %cond3A_143 = arith.cmpi ne, %convert_element_type3A_141, %cond3A_142 : i32
      scf.if %cond3A_143 {
        %add3A_209 = arith.constant 1 : i32
        %add3A_210 = arith.addi %add3A_132, %add3A_209 : i32
        %mul3A_211 = arith.constant 2 : i32
        %mul3A_212 = arith.muli %add3A_210, %mul3A_211 : i32
        %run_scoped3A_213 = arith.constant 0 : i32
        "tpu.region"() ({
          %run_scoped3A_244 = tpu.sem_alloc : memref<!tpu.dma_semaphore, #tpu.memory_space<semaphore_mem>>
          %dma_start3A_245 = arith.constant 0 : i32
          %dma_start3A_246 = arith.constant 0 : i32
          %dma_start3A_247 = tpu.memref_slice %arg8[%run_scoped3A_213, %dma_start3A_245, %dma_start3A_246] : memref<2x2x100xi32, #tpu.memory_space<vmem>> -> memref<1x2x100xi32, #tpu.memory_space<vmem>>
          %dma_start3A_248 = tpu.memref_squeeze %dma_start3A_247 : memref<1x2x100xi32, #tpu.memory_space<vmem>> -> memref<2x100xi32, #tpu.memory_space<vmem>>
          %dma_start3A_249 = arith.constant 0 : i32
          %dma_start3A_250 = tpu.memref_slice %arg2[%mul3A_212, %dma_start3A_249] : memref<8192x100xi32, #tpu.memory_space<hbm>> -> memref<2x100xi32, #tpu.memory_space<hbm>>
          %dma_start3A_251 = arith.constant 0 : i32
          %dma_start3A_252 = arith.constant 0 : i32
          %dma_start3A_253 = tpu.memref_slice %arg8[%run_scoped3A_213, %dma_start3A_251, %dma_start3A_252] : memref<2x2x100xi32, #tpu.memory_space<vmem>> -> memref<1x2x100xi32, #tpu.memory_space<vmem>>
          %dma_start3A_254 = tpu.memref_squeeze %dma_start3A_253 : memref<1x2x100xi32, #tpu.memory_space<vmem>> -> memref<2x100xi32, #tpu.memory_space<vmem>>
          %dma_start3A_255 = arith.constant 0 : i32
          %dma_start3A_256 = tpu.memref_slice %arg2[%mul3A_212, %dma_start3A_255] : memref<8192x100xi32, #tpu.memory_space<hbm>> -> memref<2x100xi32, #tpu.memory_space<hbm>>
          tpu.enqueue_dma source(%dma_start3A_256 : memref<2x100xi32, #tpu.memory_space<hbm>>) target(%dma_start3A_254 : memref<2x100xi32, #tpu.memory_space<vmem>>) target_semaphore(%run_scoped3A_244 : memref<!tpu.dma_semaphore, #tpu.memory_space<semaphore_mem>>)
          %dma_wait3A_257 = arith.constant 0 : i32
          %dma_wait3A_258 = arith.constant 0 : i32
          %dma_wait3A_259 = tpu.memref_slice %arg8[%run_scoped3A_213, %dma_wait3A_257, %dma_wait3A_258] : memref<2x2x100xi32, #tpu.memory_space<vmem>> -> memref<1x2x100xi32, #tpu.memory_space<vmem>>
          %dma_wait3A_260 = tpu.memref_squeeze %dma_wait3A_259 : memref<1x2x100xi32, #tpu.memory_space<vmem>> -> memref<2x100xi32, #tpu.memory_space<vmem>>
          %dma_wait3A_261 = arith.constant 0 : i32
          %dma_wait3A_262 = tpu.memref_slice %arg2[%mul3A_212, %dma_wait3A_261] : memref<8192x100xi32, #tpu.memory_space<hbm>> -> memref<2x100xi32, #tpu.memory_space<hbm>>
          %dma_wait3A_263 = arith.constant 0 : i32
          %dma_wait3A_264 = arith.constant 0 : i32
          %dma_wait3A_265 = tpu.memref_slice %arg8[%run_scoped3A_213, %dma_wait3A_263, %dma_wait3A_264] : memref<2x2x100xi32, #tpu.memory_space<vmem>> -> memref<1x2x100xi32, #tpu.memory_space<vmem>>
          %dma_wait3A_266 = tpu.memref_squeeze %dma_wait3A_265 : memref<1x2x100xi32, #tpu.memory_space<vmem>> -> memref<2x100xi32, #tpu.memory_space<vmem>>
          %dma_wait3A_267 = arith.constant 0 : i32
          %dma_wait3A_268 = tpu.memref_slice %arg2[%mul3A_212, %dma_wait3A_267] : memref<8192x100xi32, #tpu.memory_space<hbm>> -> memref<2x100xi32, #tpu.memory_space<hbm>>
          tpu.wait_dma2 semaphore(%run_scoped3A_244 : memref<!tpu.dma_semaphore, #tpu.memory_space<semaphore_mem>>) src(%dma_wait3A_268 : memref<2x100xi32, #tpu.memory_space<hbm>>) dst(%dma_wait3A_266 : memref<2x100xi32, #tpu.memory_space<vmem>>)
          tpu.yield
        }) : () -> ()
        %dma_start3A_214 = arith.constant 0 : i32
        %dma_start3A_215 = arith.constant 0 : i32
        %dma_start3A_216 = arith.constant 0 : i32
        %dma_start3A_217 = arith.constant 0 : i32
        %dma_start3A_218 = tpu.memref_slice %arg9[%dma_start3A_216, %dma_start3A_217] : memref<200x128xf32, #tpu.memory_space<vmem>> -> memref<100x128xf32, #tpu.memory_space<vmem>>
        %dma_start3A_219 = arith.constant 0 : i32
        %dma_start3A_220 = arith.constant 0 : i32
        %dma_start3A_221 = tpu.memref_slice %arg8[%dma_start3A_214, %dma_start3A_219, %dma_start3A_220] : memref<2x2x100xi32, #tpu.memory_space<vmem>> -> memref<1x2x100xi32, #tpu.memory_space<vmem>>
        %dma_start3A_222 = tpu.memref_squeeze %dma_start3A_221 : memref<1x2x100xi32, #tpu.memory_space<vmem>> -> memref<2x100xi32, #tpu.memory_space<vmem>>
        %dma_start3A_223 = arith.constant 0 : i32
        %dma_start3A_224 = tpu.memref_slice %dma_start3A_222[%dma_start3A_215, %dma_start3A_223] : memref<2x100xi32, #tpu.memory_space<vmem>> -> memref<1x100xi32, #tpu.memory_space<vmem>>
        %dma_start3A_225 = tpu.memref_squeeze %dma_start3A_224 : memref<1x100xi32, #tpu.memory_space<vmem>> -> memref<100xi32, #tpu.memory_space<vmem>>
        %dma_start3A_226 = arith.constant 0 : i32
        %dma_start3A_227 = arith.constant 0 : i32
        %dma_start3A_228 = tpu.memref_slice %arg3[%dma_start3A_226, %dma_start3A_227] : memref<100000x128xf32, #tpu.memory_space<hbm>> -> memref<100000x128xf32, #tpu.memory_space<hbm>>
        tpu.enqueue_indirect_dma source(%dma_start3A_228 : memref<100000x128xf32, #tpu.memory_space<hbm>>) target(%dma_start3A_218 : memref<100x128xf32, #tpu.memory_space<vmem>>) offsets(%dma_start3A_225 : memref<100xi32, #tpu.memory_space<vmem>>) semaphore(%arg14 : memref<!tpu.dma_semaphore, #tpu.memory_space<semaphore_mem>>)
        %dma_start3A_229 = arith.constant 0 : i32
        %dma_start3A_230 = arith.constant 1 : i32
        %dma_start3A_231 = arith.constant 100 : i32
        %dma_start3A_232 = arith.constant 0 : i32
        %dma_start3A_233 = tpu.memref_slice %arg9[%dma_start3A_231, %dma_start3A_232] : memref<200x128xf32, #tpu.memory_space<vmem>> -> memref<100x128xf32, #tpu.memory_space<vmem>>
        %dma_start3A_234 = arith.constant 0 : i32
        %dma_start3A_235 = arith.constant 0 : i32
        %dma_start3A_236 = tpu.memref_slice %arg8[%dma_start3A_229, %dma_start3A_234, %dma_start3A_235] : memref<2x2x100xi32, #tpu.memory_space<vmem>> -> memref<1x2x100xi32, #tpu.memory_space<vmem>>
        %dma_start3A_237 = tpu.memref_squeeze %dma_start3A_236 : memref<1x2x100xi32, #tpu.memory_space<vmem>> -> memref<2x100xi32, #tpu.memory_space<vmem>>
        %dma_start3A_238 = arith.constant 0 : i32
        %dma_start3A_239 = tpu.memref_slice %dma_start3A_237[%dma_start3A_230, %dma_start3A_238] : memref<2x100xi32, #tpu.memory_space<vmem>> -> memref<1x100xi32, #tpu.memory_space<vmem>>
        %dma_start3A_240 = tpu.memref_squeeze %dma_start3A_239 : memref<1x100xi32, #tpu.memory_space<vmem>> -> memref<100xi32, #tpu.memory_space<vmem>>
        %dma_start3A_241 = arith.constant 0 : i32
        %dma_start3A_242 = arith.constant 0 : i32
        %dma_start3A_243 = tpu.memref_slice %arg3[%dma_start3A_241, %dma_start3A_242] : memref<100000x128xf32, #tpu.memory_space<hbm>> -> memref<100000x128xf32, #tpu.memory_space<hbm>>
        tpu.enqueue_indirect_dma source(%dma_start3A_243 : memref<100000x128xf32, #tpu.memory_space<hbm>>) target(%dma_start3A_233 : memref<100x128xf32, #tpu.memory_space<vmem>>) offsets(%dma_start3A_240 : memref<100xi32, #tpu.memory_space<vmem>>) semaphore(%arg14 : memref<!tpu.dma_semaphore, #tpu.memory_space<semaphore_mem>>)
      } else {
      }
      %dma_wait3A_144 = arith.constant 0 : i32
      %dma_wait3A_145 = arith.constant 0 : i32
      %dma_wait3A_146 = tpu.memref_slice %arg3[%dma_wait3A_144, %dma_wait3A_145] : memref<100000x128xf32, #tpu.memory_space<hbm>> -> memref<200x128xf32, #tpu.memory_space<hbm>>
      %dma_wait3A_147 = arith.constant 0 : i32
      %dma_wait3A_148 = arith.constant 0 : i32
      %dma_wait3A_149 = tpu.memref_slice %arg3[%dma_wait3A_147, %dma_wait3A_148] : memref<100000x128xf32, #tpu.memory_space<hbm>> -> memref<200x128xf32, #tpu.memory_space<hbm>>
      tpu.wait_dma2 semaphore(%arg15 : memref<!tpu.dma_semaphore, #tpu.memory_space<semaphore_mem>>) src(%dma_wait3A_149 : memref<200x128xf32, #tpu.memory_space<hbm>>) dst(%arg10 : memref<200x128xf32, #tpu.memory_space<vmem>>)
      %get3A_150 = arith.constant 0 : index
      %get3A_151 = tpu.vector_load %arg12[%get3A_150] {strides = array<i32>} : memref<128xf32, #tpu.memory_space<vmem>>, vector<16xf32>,
      %get3A_152 = vector.shape_cast %get3A_151 : vector<16xf32> to vector<16xf32>
      %get3A_153 = arith.constant 16 : index
      %get3A_154 = tpu.vector_load %arg12[%get3A_153] {strides = array<i32>} : memref<128xf32, #tpu.memory_space<vmem>>, vector<16xf32>,
      %get3A_155 = vector.shape_cast %get3A_154 : vector<16xf32> to vector<16xf32>
      %get3A_156 = arith.constant 32 : index
      %get3A_157 = tpu.vector_load %arg12[%get3A_156] {strides = array<i32>} : memref<128xf32, #tpu.memory_space<vmem>>, vector<16xf32>,
      %get3A_158 = vector.shape_cast %get3A_157 : vector<16xf32> to vector<16xf32>
      %get3A_159 = arith.constant 48 : index
      %get3A_160 = tpu.vector_load %arg12[%get3A_159] {strides = array<i32>} : memref<128xf32, #tpu.memory_space<vmem>>, vector<16xf32>,
      %get3A_161 = vector.shape_cast %get3A_160 : vector<16xf32> to vector<16xf32>
      %get3A_162 = arith.constant 64 : index
      %get3A_163 = tpu.vector_load %arg12[%get3A_162] {strides = array<i32>} : memref<128xf32, #tpu.memory_space<vmem>>, vector<16xf32>,
      %get3A_164 = vector.shape_cast %get3A_163 : vector<16xf32> to vector<16xf32>
      %get3A_165 = arith.constant 80 : index
      %get3A_166 = tpu.vector_load %arg12[%get3A_165] {strides = array<i32>} : memref<128xf32, #tpu.memory_space<vmem>>, vector<16xf32>,
      %get3A_167 = vector.shape_cast %get3A_166 : vector<16xf32> to vector<16xf32>
      %get3A_168 = arith.constant 96 : index
      %get3A_169 = tpu.vector_load %arg12[%get3A_168] {strides = array<i32>} : memref<128xf32, #tpu.memory_space<vmem>>, vector<16xf32>,
      %get3A_170 = vector.shape_cast %get3A_169 : vector<16xf32> to vector<16xf32>
      %get3A_171 = arith.constant 112 : index
      %get3A_172 = tpu.vector_load %arg12[%get3A_171] {strides = array<i32>} : memref<128xf32, #tpu.memory_space<vmem>>, vector<16xf32>,
      %get3A_173 = vector.shape_cast %get3A_172 : vector<16xf32> to vector<16xf32>
      %get3A_174 = arith.constant 0 : index
      %get3A_175 = tpu.vector_load %arg13[%get3A_174] {strides = array<i32>} : memref<128xf32, #tpu.memory_space<vmem>>, vector<16xf32>,
      %get3A_176 = vector.shape_cast %get3A_175 : vector<16xf32> to vector<16xf32>
      %get3A_177 = arith.constant 16 : index
      %get3A_178 = tpu.vector_load %arg13[%get3A_177] {strides = array<i32>} : memref<128xf32, #tpu.memory_space<vmem>>, vector<16xf32>,
      %get3A_179 = vector.shape_cast %get3A_178 : vector<16xf32> to vector<16xf32>
      %get3A_180 = arith.constant 32 : index
      %get3A_181 = tpu.vector_load %arg13[%get3A_180] {strides = array<i32>} : memref<128xf32, #tpu.memory_space<vmem>>, vector<16xf32>,
      %get3A_182 = vector.shape_cast %get3A_181 : vector<16xf32> to vector<16xf32>
      %get3A_183 = arith.constant 48 : index
      %get3A_184 = tpu.vector_load %arg13[%get3A_183] {strides = array<i32>} : memref<128xf32, #tpu.memory_space<vmem>>, vector<16xf32>,
      %get3A_185 = vector.shape_cast %get3A_184 : vector<16xf32> to vector<16xf32>
      %get3A_186 = arith.constant 64 : index
      %get3A_187 = tpu.vector_load %arg13[%get3A_186] {strides = array<i32>} : memref<128xf32, #tpu.memory_space<vmem>>, vector<16xf32>,
      %get3A_188 = vector.shape_cast %get3A_187 : vector<16xf32> to vector<16xf32>
      %get3A_189 = arith.constant 80 : index
      %get3A_190 = tpu.vector_load %arg13[%get3A_189] {strides = array<i32>} : memref<128xf32, #tpu.memory_space<vmem>>, vector<16xf32>,
      %get3A_191 = vector.shape_cast %get3A_190 : vector<16xf32> to vector<16xf32>
      %get3A_192 = arith.constant 96 : index
      %get3A_193 = tpu.vector_load %arg13[%get3A_192] {strides = array<i32>} : memref<128xf32, #tpu.memory_space<vmem>>, vector<16xf32>,
      %get3A_194 = vector.shape_cast %get3A_193 : vector<16xf32> to vector<16xf32>
      %get3A_195 = arith.constant 112 : index
      %get3A_196 = tpu.vector_load %arg13[%get3A_195] {strides = array<i32>} : memref<128xf32, #tpu.memory_space<vmem>>, vector<16xf32>,
      %get3A_197 = vector.shape_cast %get3A_196 : vector<16xf32> to vector<16xf32>
      %scan3A_198 = arith.constant 0 : i32
      %scan3A_199 = arith.constant 100 : i32
      %scan3A_200 = arith.addi %scan3A_198, %scan3A_199 : i32
      %scan3A_201 = arith.constant 1 : i32
      scf.for %scan3A_209 = %scan3A_198 to %scan3A_200 step %scan3A_201  : i32 {
        %mul3A_210 = arith.constant 2 : i32
        %mul3A_211 = arith.muli %scan3A_209, %mul3A_210 : i32
        %add3A_212 = arith.constant 1 : i32
        %add3A_213 = arith.addi %mul3A_211, %add3A_212 : i32
        %get3A_214 = arith.index_cast %mul3A_211 : i32 to index
        %get3A_215 = arith.constant 0 : index
        %get3A_216 = tpu.vector_load %arg10[%get3A_214, %get3A_215] {strides = array<i32>} : memref<200x128xf32, #tpu.memory_space<vmem>>, vector<1x16xf32>,
        %get3A_217 = vector.shape_cast %get3A_216 : vector<1x16xf32> to vector<16xf32>
        %get3A_218 = arith.index_cast %mul3A_211 : i32 to index
        %get3A_219 = arith.constant 0 : index
        %get3A_220 = tpu.vector_load %arg11[%get3A_218, %get3A_219] {strides = array<i32>} : memref<200x128xf32, #tpu.memory_space<vmem>>, vector<1x16xf32>,
        %get3A_221 = vector.shape_cast %get3A_220 : vector<1x16xf32> to vector<16xf32>
        %add3A_222 = arith.addf %get3A_217, %get3A_221 : vector<16xf32>
        %get3A_223 = arith.index_cast %mul3A_211 : i32 to index
        %get3A_224 = arith.constant 16 : index
        %get3A_225 = tpu.vector_load %arg10[%get3A_223, %get3A_224] {strides = array<i32>} : memref<200x128xf32, #tpu.memory_space<vmem>>, vector<1x16xf32>,
        %get3A_226 = vector.shape_cast %get3A_225 : vector<1x16xf32> to vector<16xf32>
        %get3A_227 = arith.index_cast %mul3A_211 : i32 to index
        %get3A_228 = arith.constant 16 : index
        %get3A_229 = tpu.vector_load %arg11[%get3A_227, %get3A_228] {strides = array<i32>} : memref<200x128xf32, #tpu.memory_space<vmem>>, vector<1x16xf32>,
        %get3A_230 = vector.shape_cast %get3A_229 : vector<1x16xf32> to vector<16xf32>
        %add3A_231 = arith.addf %get3A_226, %get3A_230 : vector<16xf32>
        %get3A_232 = arith.index_cast %mul3A_211 : i32 to index
        %get3A_233 = arith.constant 32 : index
        %get3A_234 = tpu.vector_load %arg10[%get3A_232, %get3A_233] {strides = array<i32>} : memref<200x128xf32, #tpu.memory_space<vmem>>, vector<1x16xf32>,
        %get3A_235 = vector.shape_cast %get3A_234 : vector<1x16xf32> to vector<16xf32>
        %get3A_236 = arith.index_cast %mul3A_211 : i32 to index
        %get3A_237 = arith.constant 32 : index
        %get3A_238 = tpu.vector_load %arg11[%get3A_236, %get3A_237] {strides = array<i32>} : memref<200x128xf32, #tpu.memory_space<vmem>>, vector<1x16xf32>,
        %get3A_239 = vector.shape_cast %get3A_238 : vector<1x16xf32> to vector<16xf32>
        %add3A_240 = arith.addf %get3A_235, %get3A_239 : vector<16xf32>
        %get3A_241 = arith.index_cast %mul3A_211 : i32 to index
        %get3A_242 = arith.constant 48 : index
        %get3A_243 = tpu.vector_load %arg10[%get3A_241, %get3A_242] {strides = array<i32>} : memref<200x128xf32, #tpu.memory_space<vmem>>, vector<1x16xf32>,
        %get3A_244 = vector.shape_cast %get3A_243 : vector<1x16xf32> to vector<16xf32>
        %get3A_245 = arith.index_cast %mul3A_211 : i32 to index
        %get3A_246 = arith.constant 48 : index
        %get3A_247 = tpu.vector_load %arg11[%get3A_245, %get3A_246] {strides = array<i32>} : memref<200x128xf32, #tpu.memory_space<vmem>>, vector<1x16xf32>,
        %get3A_248 = vector.shape_cast %get3A_247 : vector<1x16xf32> to vector<16xf32>
        %add3A_249 = arith.addf %get3A_244, %get3A_248 : vector<16xf32>
        %get3A_250 = arith.index_cast %mul3A_211 : i32 to index
        %get3A_251 = arith.constant 64 : index
        %get3A_252 = tpu.vector_load %arg10[%get3A_250, %get3A_251] {strides = array<i32>} : memref<200x128xf32, #tpu.memory_space<vmem>>, vector<1x16xf32>,
        %get3A_253 = vector.shape_cast %get3A_252 : vector<1x16xf32> to vector<16xf32>
        %get3A_254 = arith.index_cast %mul3A_211 : i32 to index
        %get3A_255 = arith.constant 64 : index
        %get3A_256 = tpu.vector_load %arg11[%get3A_254, %get3A_255] {strides = array<i32>} : memref<200x128xf32, #tpu.memory_space<vmem>>, vector<1x16xf32>,
        %get3A_257 = vector.shape_cast %get3A_256 : vector<1x16xf32> to vector<16xf32>
        %add3A_258 = arith.addf %get3A_253, %get3A_257 : vector<16xf32>
        %get3A_259 = arith.index_cast %mul3A_211 : i32 to index
        %get3A_260 = arith.constant 80 : index
        %get3A_261 = tpu.vector_load %arg10[%get3A_259, %get3A_260] {strides = array<i32>} : memref<200x128xf32, #tpu.memory_space<vmem>>, vector<1x16xf32>,
        %get3A_262 = vector.shape_cast %get3A_261 : vector<1x16xf32> to vector<16xf32>
        %get3A_263 = arith.index_cast %mul3A_211 : i32 to index
        %get3A_264 = arith.constant 80 : index
        %get3A_265 = tpu.vector_load %arg11[%get3A_263, %get3A_264] {strides = array<i32>} : memref<200x128xf32, #tpu.memory_space<vmem>>, vector<1x16xf32>,
        %get3A_266 = vector.shape_cast %get3A_265 : vector<1x16xf32> to vector<16xf32>
        %add3A_267 = arith.addf %get3A_262, %get3A_266 : vector<16xf32>
        %get3A_268 = arith.index_cast %mul3A_211 : i32 to index
        %get3A_269 = arith.constant 96 : index
        %get3A_270 = tpu.vector_load %arg10[%get3A_268, %get3A_269] {strides = array<i32>} : memref<200x128xf32, #tpu.memory_space<vmem>>, vector<1x16xf32>,
        %get3A_271 = vector.shape_cast %get3A_270 : vector<1x16xf32> to vector<16xf32>
        %get3A_272 = arith.index_cast %mul3A_211 : i32 to index
        %get3A_273 = arith.constant 96 : index
        %get3A_274 = tpu.vector_load %arg11[%get3A_272, %get3A_273] {strides = array<i32>} : memref<200x128xf32, #tpu.memory_space<vmem>>, vector<1x16xf32>,
        %get3A_275 = vector.shape_cast %get3A_274 : vector<1x16xf32> to vector<16xf32>
        %add3A_276 = arith.addf %get3A_271, %get3A_275 : vector<16xf32>
        %get3A_277 = arith.index_cast %mul3A_211 : i32 to index
        %get3A_278 = arith.constant 112 : index
        %get3A_279 = tpu.vector_load %arg10[%get3A_277, %get3A_278] {strides = array<i32>} : memref<200x128xf32, #tpu.memory_space<vmem>>, vector<1x16xf32>,
        %get3A_280 = vector.shape_cast %get3A_279 : vector<1x16xf32> to vector<16xf32>
        %get3A_281 = arith.index_cast %mul3A_211 : i32 to index
        %get3A_282 = arith.constant 112 : index
        %get3A_283 = tpu.vector_load %arg11[%get3A_281, %get3A_282] {strides = array<i32>} : memref<200x128xf32, #tpu.memory_space<vmem>>, vector<1x16xf32>,
        %get3A_284 = vector.shape_cast %get3A_283 : vector<1x16xf32> to vector<16xf32>
        %add3A_285 = arith.addf %get3A_280, %get3A_284 : vector<16xf32>
        %mul3A_286 = arith.mulf %add3A_222, %add3A_222 : vector<16xf32>
        %add3A_287 = arith.addf %add3A_222, %add3A_231 : vector<16xf32>
        %mul3A_288 = arith.mulf %add3A_231, %add3A_231 : vector<16xf32>
        %add3A_289 = arith.addf %mul3A_286, %mul3A_288 : vector<16xf32>
        %add3A_290 = arith.addf %add3A_287, %add3A_240 : vector<16xf32>
        %mul3A_291 = arith.mulf %add3A_240, %add3A_240 : vector<16xf32>
        %add3A_292 = arith.addf %add3A_289, %mul3A_291 : vector<16xf32>
        %add3A_293 = arith.addf %add3A_290, %add3A_249 : vector<16xf32>
        %mul3A_294 = arith.mulf %add3A_249, %add3A_249 : vector<16xf32>
        %add3A_295 = arith.addf %add3A_292, %mul3A_294 : vector<16xf32>
        %add3A_296 = arith.addf %add3A_293, %add3A_258 : vector<16xf32>
        %mul3A_297 = arith.mulf %add3A_258, %add3A_258 : vector<16xf32>
        %add3A_298 = arith.addf %add3A_295, %mul3A_297 : vector<16xf32>
        %add3A_299 = arith.addf %add3A_296, %add3A_267 : vector<16xf32>
        %mul3A_300 = arith.mulf %add3A_267, %add3A_267 : vector<16xf32>
        %add3A_301 = arith.addf %add3A_298, %mul3A_300 : vector<16xf32>
        %add3A_302 = arith.addf %add3A_299, %add3A_276 : vector<16xf32>
        %mul3A_303 = arith.mulf %add3A_276, %add3A_276 : vector<16xf32>
        %add3A_304 = arith.addf %add3A_301, %mul3A_303 : vector<16xf32>
        %add3A_305 = arith.addf %add3A_302, %add3A_285 : vector<16xf32>
        %mul3A_306 = arith.mulf %add3A_285, %add3A_285 : vector<16xf32>
        %add3A_307 = arith.addf %add3A_304, %mul3A_306 : vector<16xf32>
        %iota3A = tpu.iota {dimensions = array<i32: 0>} : vector<16xi32>
        %xor3A = arith.constant 8 : i32
        %xor3A_308 = vector.broadcast %xor3A : i32 to vector<16xi32>
        %xor3A_309 = arith.xori %iota3A, %xor3A_308 : vector<16xi32>
        %broadcast_in_dim3A = vector.shape_cast %xor3A_309 : vector<16xi32> to vector<16x1xi32>
        %gather3A = vector.shape_cast %broadcast_in_dim3A : vector<16x1xi32> to vector<16xi32>
        %gather3A_310 = tpu.dynamic_gather %add3A_305[%gather3A] in [0] : vector<16xf32>, vector<16xi32> -> vector<16xf32>
        %add3A_311 = arith.addf %add3A_305, %gather3A_310 : vector<16xf32>
        %xor3A_312 = arith.constant 4 : i32
        %xor3A_313 = vector.broadcast %xor3A_312 : i32 to vector<16xi32>
        %xor3A_314 = arith.xori %iota3A, %xor3A_313 : vector<16xi32>
        %broadcast_in_dim3A_315 = vector.shape_cast %xor3A_314 : vector<16xi32> to vector<16x1xi32>
        %gather3A_316 = vector.shape_cast %broadcast_in_dim3A_315 : vector<16x1xi32> to vector<16xi32>
        %gather3A_317 = tpu.dynamic_gather %add3A_311[%gather3A_316] in [0] : vector<16xf32>, vector<16xi32> -> vector<16xf32>
        %add3A_318 = arith.addf %add3A_311, %gather3A_317 : vector<16xf32>
        %xor3A_319 = arith.constant 2 : i32
        %xor3A_320 = vector.broadcast %xor3A_319 : i32 to vector<16xi32>
        %xor3A_321 = arith.xori %iota3A, %xor3A_320 : vector<16xi32>
        %broadcast_in_dim3A_322 = vector.shape_cast %xor3A_321 : vector<16xi32> to vector<16x1xi32>
        %gather3A_323 = vector.shape_cast %broadcast_in_dim3A_322 : vector<16x1xi32> to vector<16xi32>
        %gather3A_324 = tpu.dynamic_gather %add3A_318[%gather3A_323] in [0] : vector<16xf32>, vector<16xi32> -> vector<16xf32>
        %add3A_325 = arith.addf %add3A_318, %gather3A_324 : vector<16xf32>
        %xor3A_326 = arith.constant 1 : i32
        %xor3A_327 = vector.broadcast %xor3A_326 : i32 to vector<16xi32>
        %xor3A_328 = arith.xori %iota3A, %xor3A_327 : vector<16xi32>
        %broadcast_in_dim3A_329 = vector.shape_cast %xor3A_328 : vector<16xi32> to vector<16x1xi32>
        %gather3A_330 = vector.shape_cast %broadcast_in_dim3A_329 : vector<16x1xi32> to vector<16xi32>
        %gather3A_331 = tpu.dynamic_gather %add3A_325[%gather3A_330] in [0] : vector<16xf32>, vector<16xi32> -> vector<16xf32>
        %add3A_332 = arith.addf %add3A_325, %gather3A_331 : vector<16xf32>
        %mul3A_333 = vector.broadcast %scan3A_34 : f32 to vector<16xf32>
        %mul3A_334 = arith.mulf %add3A_332, %mul3A_333 : vector<16xf32>
        %iota3A_335 = tpu.iota {dimensions = array<i32: 0>} : vector<16xi32>
        %xor3A_336 = arith.constant 8 : i32
        %xor3A_337 = vector.broadcast %xor3A_336 : i32 to vector<16xi32>
        %xor3A_338 = arith.xori %iota3A_335, %xor3A_337 : vector<16xi32>
        %broadcast_in_dim3A_339 = vector.shape_cast %xor3A_338 : vector<16xi32> to vector<16x1xi32>
        %gather3A_340 = vector.shape_cast %broadcast_in_dim3A_339 : vector<16x1xi32> to vector<16xi32>
        %gather3A_341 = tpu.dynamic_gather %add3A_307[%gather3A_340] in [0] : vector<16xf32>, vector<16xi32> -> vector<16xf32>
        %add3A_342 = arith.addf %add3A_307, %gather3A_341 : vector<16xf32>
        %xor3A_343 = arith.constant 4 : i32
        %xor3A_344 = vector.broadcast %xor3A_343 : i32 to vector<16xi32>
        %xor3A_345 = arith.xori %iota3A_335, %xor3A_344 : vector<16xi32>
        %broadcast_in_dim3A_346 = vector.shape_cast %xor3A_345 : vector<16xi32> to vector<16x1xi32>
        %gather3A_347 = vector.shape_cast %broadcast_in_dim3A_346 : vector<16x1xi32> to vector<16xi32>
        %gather3A_348 = tpu.dynamic_gather %add3A_342[%gather3A_347] in [0] : vector<16xf32>, vector<16xi32> -> vector<16xf32>
        %add3A_349 = arith.addf %add3A_342, %gather3A_348 : vector<16xf32>
        %xor3A_350 = arith.constant 2 : i32
        %xor3A_351 = vector.broadcast %xor3A_350 : i32 to vector<16xi32>
        %xor3A_352 = arith.xori %iota3A_335, %xor3A_351 : vector<16xi32>
        %broadcast_in_dim3A_353 = vector.shape_cast %xor3A_352 : vector<16xi32> to vector<16x1xi32>
        %gather3A_354 = vector.shape_cast %broadcast_in_dim3A_353 : vector<16x1xi32> to vector<16xi32>
        %gather3A_355 = tpu.dynamic_gather %add3A_349[%gather3A_354] in [0] : vector<16xf32>, vector<16xi32> -> vector<16xf32>
        %add3A_356 = arith.addf %add3A_349, %gather3A_355 : vector<16xf32>
        %xor3A_357 = arith.constant 1 : i32
        %xor3A_358 = vector.broadcast %xor3A_357 : i32 to vector<16xi32>
        %xor3A_359 = arith.xori %iota3A_335, %xor3A_358 : vector<16xi32>
        %broadcast_in_dim3A_360 = vector.shape_cast %xor3A_359 : vector<16xi32> to vector<16x1xi32>
        %gather3A_361 = vector.shape_cast %broadcast_in_dim3A_360 : vector<16x1xi32> to vector<16xi32>
        %gather3A_362 = tpu.dynamic_gather %add3A_356[%gather3A_361] in [0] : vector<16xf32>, vector<16xi32> -> vector<16xf32>
        %add3A_363 = arith.addf %add3A_356, %gather3A_362 : vector<16xf32>
        %mul3A_364 = vector.broadcast %scan3A_34 : f32 to vector<16xf32>
        %mul3A_365 = arith.mulf %add3A_363, %mul3A_364 : vector<16xf32>
        %mul3A_366 = arith.mulf %mul3A_334, %mul3A_334 : vector<16xf32>
        %sub3A = arith.subf %mul3A_365, %mul3A_366 : vector<16xf32>
        %add3A_367 = vector.broadcast %scan3A_35 : f32 to vector<16xf32>
        %add3A_368 = arith.addf %sub3A, %add3A_367 : vector<16xf32>
        %bitcast_convert_type3A = tpu.bitcast %add3A_368 : vector<16xf32> -> vector<16xi32>
        %shift_right_arithmetic3A = arith.constant 1 : i32
        %shift_right_arithmetic3A_369 = vector.broadcast %shift_right_arithmetic3A : i32 to vector<16xi32>
        %shift_right_arithmetic3A_370 = arith.shrsi %bitcast_convert_type3A, %shift_right_arithmetic3A_369 : vector<16xi32>
        %sub3A_371 = arith.constant 1597463007 : i32
        %sub3A_372 = vector.broadcast %sub3A_371 : i32 to vector<16xi32>
        %sub3A_373 = arith.subi %sub3A_372, %shift_right_arithmetic3A_370 : vector<16xi32>
        %bitcast_convert_type3A_374 = tpu.bitcast %sub3A_373 : vector<16xi32> -> vector<16xf32>
        %mul3A_375 = arith.constant 5.000000e-01 : f32
        %mul3A_376 = vector.broadcast %mul3A_375 : f32 to vector<16xf32>
        %mul3A_377 = arith.mulf %mul3A_376, %add3A_368 : vector<16xf32>
        %mul3A_378 = arith.mulf %mul3A_377, %bitcast_convert_type3A_374 : vector<16xf32>
        %mul3A_379 = arith.mulf %mul3A_378, %bitcast_convert_type3A_374 : vector<16xf32>
        %sub3A_380 = arith.constant 1.500000e+00 : f32
        %sub3A_381 = vector.broadcast %sub3A_380 : f32 to vector<16xf32>
        %sub3A_382 = arith.subf %sub3A_381, %mul3A_379 : vector<16xf32>
        %mul3A_383 = arith.mulf %bitcast_convert_type3A_374, %sub3A_382 : vector<16xf32>
        %mul3A_384 = arith.constant 5.000000e-01 : f32
        %mul3A_385 = vector.broadcast %mul3A_384 : f32 to vector<16xf32>
        %mul3A_386 = arith.mulf %mul3A_385, %add3A_368 : vector<16xf32>
        %mul3A_387 = arith.mulf %mul3A_386, %mul3A_383 : vector<16xf32>
        %mul3A_388 = arith.mulf %mul3A_387, %mul3A_383 : vector<16xf32>
        %sub3A_389 = arith.constant 1.500000e+00 : f32
        %sub3A_390 = vector.broadcast %sub3A_389 : f32 to vector<16xf32>
        %sub3A_391 = arith.subf %sub3A_390, %mul3A_388 : vector<16xf32>
        %mul3A_392 = arith.mulf %mul3A_383, %sub3A_391 : vector<16xf32>
        %mul3A_393 = arith.constant 5.000000e-01 : f32
        %mul3A_394 = vector.broadcast %mul3A_393 : f32 to vector<16xf32>
        %mul3A_395 = arith.mulf %mul3A_394, %add3A_368 : vector<16xf32>
        %mul3A_396 = arith.mulf %mul3A_395, %mul3A_392 : vector<16xf32>
        %mul3A_397 = arith.mulf %mul3A_396, %mul3A_392 : vector<16xf32>
        %sub3A_398 = arith.constant 1.500000e+00 : f32
        %sub3A_399 = vector.broadcast %sub3A_398 : f32 to vector<16xf32>
        %sub3A_400 = arith.subf %sub3A_399, %mul3A_397 : vector<16xf32>
        %mul3A_401 = arith.mulf %mul3A_392, %sub3A_400 : vector<16xf32>
        %sub3A_402 = arith.subf %add3A_222, %mul3A_334 : vector<16xf32>
        %mul3A_403 = arith.mulf %sub3A_402, %mul3A_401 : vector<16xf32>
        %mul3A_404 = arith.mulf %mul3A_403, %get3A_152 : vector<16xf32>
        %add3A_405 = arith.addf %mul3A_404, %get3A_176 : vector<16xf32>
        %swap3A = arith.index_cast %mul3A_211 : i32 to index
        %swap3A_406 = arith.constant 0 : index
        %swap3A_407 = tpu.vector_load %arg10[%swap3A, %swap3A_406] {strides = array<i32>} : memref<200x128xf32, #tpu.memory_space<vmem>>, vector<1x16xf32>,
        %swap3A_408 = vector.shape_cast %swap3A_407 : vector<1x16xf32> to vector<16xf32>
        %swap3A_409 = vector.shape_cast %add3A_405 : vector<16xf32> to vector<1x16xf32>
        tpu.vector_store %arg10[%swap3A, %swap3A_406], %swap3A_409 {strides = array<i32>} : memref<200x128xf32, #tpu.memory_space<vmem>>, vector<1x16xf32>,
        %sub3A_410 = arith.subf %add3A_231, %mul3A_334 : vector<16xf32>
        %mul3A_411 = arith.mulf %sub3A_410, %mul3A_401 : vector<16xf32>
        %mul3A_412 = arith.mulf %mul3A_411, %get3A_155 : vector<16xf32>
        %add3A_413 = arith.addf %mul3A_412, %get3A_179 : vector<16xf32>
        %swap3A_414 = arith.index_cast %mul3A_211 : i32 to index
        %swap3A_415 = arith.constant 16 : index
        %swap3A_416 = tpu.vector_load %arg10[%swap3A_414, %swap3A_415] {strides = array<i32>} : memref<200x128xf32, #tpu.memory_space<vmem>>, vector<1x16xf32>,
        %swap3A_417 = vector.shape_cast %swap3A_416 : vector<1x16xf32> to vector<16xf32>
        %swap3A_418 = vector.shape_cast %add3A_413 : vector<16xf32> to vector<1x16xf32>
        tpu.vector_store %arg10[%swap3A_414, %swap3A_415], %swap3A_418 {strides = array<i32>} : memref<200x128xf32, #tpu.memory_space<vmem>>, vector<1x16xf32>,
        %sub3A_419 = arith.subf %add3A_240, %mul3A_334 : vector<16xf32>
        %mul3A_420 = arith.mulf %sub3A_419, %mul3A_401 : vector<16xf32>
        %mul3A_421 = arith.mulf %mul3A_420, %get3A_158 : vector<16xf32>
        %add3A_422 = arith.addf %mul3A_421, %get3A_182 : vector<16xf32>
        %swap3A_423 = arith.index_cast %mul3A_211 : i32 to index
        %swap3A_424 = arith.constant 32 : index
        %swap3A_425 = tpu.vector_load %arg10[%swap3A_423, %swap3A_424] {strides = array<i32>} : memref<200x128xf32, #tpu.memory_space<vmem>>, vector<1x16xf32>,
        %swap3A_426 = vector.shape_cast %swap3A_425 : vector<1x16xf32> to vector<16xf32>
        %swap3A_427 = vector.shape_cast %add3A_422 : vector<16xf32> to vector<1x16xf32>
        tpu.vector_store %arg10[%swap3A_423, %swap3A_424], %swap3A_427 {strides = array<i32>} : memref<200x128xf32, #tpu.memory_space<vmem>>, vector<1x16xf32>,
        %sub3A_428 = arith.subf %add3A_249, %mul3A_334 : vector<16xf32>
        %mul3A_429 = arith.mulf %sub3A_428, %mul3A_401 : vector<16xf32>
        %mul3A_430 = arith.mulf %mul3A_429, %get3A_161 : vector<16xf32>
        %add3A_431 = arith.addf %mul3A_430, %get3A_185 : vector<16xf32>
        %swap3A_432 = arith.index_cast %mul3A_211 : i32 to index
        %swap3A_433 = arith.constant 48 : index
        %swap3A_434 = tpu.vector_load %arg10[%swap3A_432, %swap3A_433] {strides = array<i32>} : memref<200x128xf32, #tpu.memory_space<vmem>>, vector<1x16xf32>,
        %swap3A_435 = vector.shape_cast %swap3A_434 : vector<1x16xf32> to vector<16xf32>
        %swap3A_436 = vector.shape_cast %add3A_431 : vector<16xf32> to vector<1x16xf32>
        tpu.vector_store %arg10[%swap3A_432, %swap3A_433], %swap3A_436 {strides = array<i32>} : memref<200x128xf32, #tpu.memory_space<vmem>>, vector<1x16xf32>,
        %sub3A_437 = arith.subf %add3A_258, %mul3A_334 : vector<16xf32>
        %mul3A_438 = arith.mulf %sub3A_437, %mul3A_401 : vector<16xf32>
        %mul3A_439 = arith.mulf %mul3A_438, %get3A_164 : vector<16xf32>
        %add3A_440 = arith.addf %mul3A_439, %get3A_188 : vector<16xf32>
        %swap3A_441 = arith.index_cast %mul3A_211 : i32 to index
        %swap3A_442 = arith.constant 64 : index
        %swap3A_443 = tpu.vector_load %arg10[%swap3A_441, %swap3A_442] {strides = array<i32>} : memref<200x128xf32, #tpu.memory_space<vmem>>, vector<1x16xf32>,
        %swap3A_444 = vector.shape_cast %swap3A_443 : vector<1x16xf32> to vector<16xf32>
        %swap3A_445 = vector.shape_cast %add3A_440 : vector<16xf32> to vector<1x16xf32>
        tpu.vector_store %arg10[%swap3A_441, %swap3A_442], %swap3A_445 {strides = array<i32>} : memref<200x128xf32, #tpu.memory_space<vmem>>, vector<1x16xf32>,
        %sub3A_446 = arith.subf %add3A_267, %mul3A_334 : vector<16xf32>
        %mul3A_447 = arith.mulf %sub3A_446, %mul3A_401 : vector<16xf32>
        %mul3A_448 = arith.mulf %mul3A_447, %get3A_167 : vector<16xf32>
        %add3A_449 = arith.addf %mul3A_448, %get3A_191 : vector<16xf32>
        %swap3A_450 = arith.index_cast %mul3A_211 : i32 to index
        %swap3A_451 = arith.constant 80 : index
        %swap3A_452 = tpu.vector_load %arg10[%swap3A_450, %swap3A_451] {strides = array<i32>} : memref<200x128xf32, #tpu.memory_space<vmem>>, vector<1x16xf32>,
        %swap3A_453 = vector.shape_cast %swap3A_452 : vector<1x16xf32> to vector<16xf32>
        %swap3A_454 = vector.shape_cast %add3A_449 : vector<16xf32> to vector<1x16xf32>
        tpu.vector_store %arg10[%swap3A_450, %swap3A_451], %swap3A_454 {strides = array<i32>} : memref<200x128xf32, #tpu.memory_space<vmem>>, vector<1x16xf32>,
        %sub3A_455 = arith.subf %add3A_276, %mul3A_334 : vector<16xf32>
        %mul3A_456 = arith.mulf %sub3A_455, %mul3A_401 : vector<16xf32>
        %mul3A_457 = arith.mulf %mul3A_456, %get3A_170 : vector<16xf32>
        %add3A_458 = arith.addf %mul3A_457, %get3A_194 : vector<16xf32>
        %swap3A_459 = arith.index_cast %mul3A_211 : i32 to index
        %swap3A_460 = arith.constant 96 : index
        %swap3A_461 = tpu.vector_load %arg10[%swap3A_459, %swap3A_460] {strides = array<i32>} : memref<200x128xf32, #tpu.memory_space<vmem>>, vector<1x16xf32>,
        %swap3A_462 = vector.shape_cast %swap3A_461 : vector<1x16xf32> to vector<16xf32>
        %swap3A_463 = vector.shape_cast %add3A_458 : vector<16xf32> to vector<1x16xf32>
        tpu.vector_store %arg10[%swap3A_459, %swap3A_460], %swap3A_463 {strides = array<i32>} : memref<200x128xf32, #tpu.memory_space<vmem>>, vector<1x16xf32>,
        %sub3A_464 = arith.subf %add3A_285, %mul3A_334 : vector<16xf32>
        %mul3A_465 = arith.mulf %sub3A_464, %mul3A_401 : vector<16xf32>
        %mul3A_466 = arith.mulf %mul3A_465, %get3A_173 : vector<16xf32>
        %add3A_467 = arith.addf %mul3A_466, %get3A_197 : vector<16xf32>
        %swap3A_468 = arith.index_cast %mul3A_211 : i32 to index
        %swap3A_469 = arith.constant 112 : index
        %swap3A_470 = tpu.vector_load %arg10[%swap3A_468, %swap3A_469] {strides = array<i32>} : memref<200x128xf32, #tpu.memory_space<vmem>>, vector<1x16xf32>,
        %swap3A_471 = vector.shape_cast %swap3A_470 : vector<1x16xf32> to vector<16xf32>
        %swap3A_472 = vector.shape_cast %add3A_467 : vector<16xf32> to vector<1x16xf32>
        tpu.vector_store %arg10[%swap3A_468, %swap3A_469], %swap3A_472 {strides = array<i32>} : memref<200x128xf32, #tpu.memory_space<vmem>>, vector<1x16xf32>,
        %get3A_473 = arith.index_cast %add3A_213 : i32 to index
        %get3A_474 = arith.constant 0 : index
        %get3A_475 = tpu.vector_load %arg10[%get3A_473, %get3A_474] {strides = array<i32>} : memref<200x128xf32, #tpu.memory_space<vmem>>, vector<1x16xf32>,
        %get3A_476 = vector.shape_cast %get3A_475 : vector<1x16xf32> to vector<16xf32>
        %get3A_477 = arith.index_cast %add3A_213 : i32 to index
        %get3A_478 = arith.constant 0 : index
        %get3A_479 = tpu.vector_load %arg11[%get3A_477, %get3A_478] {strides = array<i32>} : memref<200x128xf32, #tpu.memory_space<vmem>>, vector<1x16xf32>,
        %get3A_480 = vector.shape_cast %get3A_479 : vector<1x16xf32> to vector<16xf32>
        %add3A_481 = arith.addf %get3A_476, %get3A_480 : vector<16xf32>
        %get3A_482 = arith.index_cast %add3A_213 : i32 to index
        %get3A_483 = arith.constant 16 : index
        %get3A_484 = tpu.vector_load %arg10[%get3A_482, %get3A_483] {strides = array<i32>} : memref<200x128xf32, #tpu.memory_space<vmem>>, vector<1x16xf32>,
        %get3A_485 = vector.shape_cast %get3A_484 : vector<1x16xf32> to vector<16xf32>
        %get3A_486 = arith.index_cast %add3A_213 : i32 to index
        %get3A_487 = arith.constant 16 : index
        %get3A_488 = tpu.vector_load %arg11[%get3A_486, %get3A_487] {strides = array<i32>} : memref<200x128xf32, #tpu.memory_space<vmem>>, vector<1x16xf32>,
        %get3A_489 = vector.shape_cast %get3A_488 : vector<1x16xf32> to vector<16xf32>
        %add3A_490 = arith.addf %get3A_485, %get3A_489 : vector<16xf32>
        %get3A_491 = arith.index_cast %add3A_213 : i32 to index
        %get3A_492 = arith.constant 32 : index
        %get3A_493 = tpu.vector_load %arg10[%get3A_491, %get3A_492] {strides = array<i32>} : memref<200x128xf32, #tpu.memory_space<vmem>>, vector<1x16xf32>,
        %get3A_494 = vector.shape_cast %get3A_493 : vector<1x16xf32> to vector<16xf32>
        %get3A_495 = arith.index_cast %add3A_213 : i32 to index
        %get3A_496 = arith.constant 32 : index
        %get3A_497 = tpu.vector_load %arg11[%get3A_495, %get3A_496] {strides = array<i32>} : memref<200x128xf32, #tpu.memory_space<vmem>>, vector<1x16xf32>,
        %get3A_498 = vector.shape_cast %get3A_497 : vector<1x16xf32> to vector<16xf32>
        %add3A_499 = arith.addf %get3A_494, %get3A_498 : vector<16xf32>
        %get3A_500 = arith.index_cast %add3A_213 : i32 to index
        %get3A_501 = arith.constant 48 : index
        %get3A_502 = tpu.vector_load %arg10[%get3A_500, %get3A_501] {strides = array<i32>} : memref<200x128xf32, #tpu.memory_space<vmem>>, vector<1x16xf32>,
        %get3A_503 = vector.shape_cast %get3A_502 : vector<1x16xf32> to vector<16xf32>
        %get3A_504 = arith.index_cast %add3A_213 : i32 to index
        %get3A_505 = arith.constant 48 : index
        %get3A_506 = tpu.vector_load %arg11[%get3A_504, %get3A_505] {strides = array<i32>} : memref<200x128xf32, #tpu.memory_space<vmem>>, vector<1x16xf32>,
        %get3A_507 = vector.shape_cast %get3A_506 : vector<1x16xf32> to vector<16xf32>
        %add3A_508 = arith.addf %get3A_503, %get3A_507 : vector<16xf32>
        %get3A_509 = arith.index_cast %add3A_213 : i32 to index
        %get3A_510 = arith.constant 64 : index
        %get3A_511 = tpu.vector_load %arg10[%get3A_509, %get3A_510] {strides = array<i32>} : memref<200x128xf32, #tpu.memory_space<vmem>>, vector<1x16xf32>,
        %get3A_512 = vector.shape_cast %get3A_511 : vector<1x16xf32> to vector<16xf32>
        %get3A_513 = arith.index_cast %add3A_213 : i32 to index
        %get3A_514 = arith.constant 64 : index
        %get3A_515 = tpu.vector_load %arg11[%get3A_513, %get3A_514] {strides = array<i32>} : memref<200x128xf32, #tpu.memory_space<vmem>>, vector<1x16xf32>,
        %get3A_516 = vector.shape_cast %get3A_515 : vector<1x16xf32> to vector<16xf32>
        %add3A_517 = arith.addf %get3A_512, %get3A_516 : vector<16xf32>
        %get3A_518 = arith.index_cast %add3A_213 : i32 to index
        %get3A_519 = arith.constant 80 : index
        %get3A_520 = tpu.vector_load %arg10[%get3A_518, %get3A_519] {strides = array<i32>} : memref<200x128xf32, #tpu.memory_space<vmem>>, vector<1x16xf32>,
        %get3A_521 = vector.shape_cast %get3A_520 : vector<1x16xf32> to vector<16xf32>
        %get3A_522 = arith.index_cast %add3A_213 : i32 to index
        %get3A_523 = arith.constant 80 : index
        %get3A_524 = tpu.vector_load %arg11[%get3A_522, %get3A_523] {strides = array<i32>} : memref<200x128xf32, #tpu.memory_space<vmem>>, vector<1x16xf32>,
        %get3A_525 = vector.shape_cast %get3A_524 : vector<1x16xf32> to vector<16xf32>
        %add3A_526 = arith.addf %get3A_521, %get3A_525 : vector<16xf32>
        %get3A_527 = arith.index_cast %add3A_213 : i32 to index
        %get3A_528 = arith.constant 96 : index
        %get3A_529 = tpu.vector_load %arg10[%get3A_527, %get3A_528] {strides = array<i32>} : memref<200x128xf32, #tpu.memory_space<vmem>>, vector<1x16xf32>,
        %get3A_530 = vector.shape_cast %get3A_529 : vector<1x16xf32> to vector<16xf32>
        %get3A_531 = arith.index_cast %add3A_213 : i32 to index
        %get3A_532 = arith.constant 96 : index
        %get3A_533 = tpu.vector_load %arg11[%get3A_531, %get3A_532] {strides = array<i32>} : memref<200x128xf32, #tpu.memory_space<vmem>>, vector<1x16xf32>,
        %get3A_534 = vector.shape_cast %get3A_533 : vector<1x16xf32> to vector<16xf32>
        %add3A_535 = arith.addf %get3A_530, %get3A_534 : vector<16xf32>
        %get3A_536 = arith.index_cast %add3A_213 : i32 to index
        %get3A_537 = arith.constant 112 : index
        %get3A_538 = tpu.vector_load %arg10[%get3A_536, %get3A_537] {strides = array<i32>} : memref<200x128xf32, #tpu.memory_space<vmem>>, vector<1x16xf32>,
        %get3A_539 = vector.shape_cast %get3A_538 : vector<1x16xf32> to vector<16xf32>
        %get3A_540 = arith.index_cast %add3A_213 : i32 to index
        %get3A_541 = arith.constant 112 : index
        %get3A_542 = tpu.vector_load %arg11[%get3A_540, %get3A_541] {strides = array<i32>} : memref<200x128xf32, #tpu.memory_space<vmem>>, vector<1x16xf32>,
        %get3A_543 = vector.shape_cast %get3A_542 : vector<1x16xf32> to vector<16xf32>
        %add3A_544 = arith.addf %get3A_539, %get3A_543 : vector<16xf32>
        %mul3A_545 = arith.mulf %add3A_481, %add3A_481 : vector<16xf32>
        %add3A_546 = arith.addf %add3A_481, %add3A_490 : vector<16xf32>
        %mul3A_547 = arith.mulf %add3A_490, %add3A_490 : vector<16xf32>
        %add3A_548 = arith.addf %mul3A_545, %mul3A_547 : vector<16xf32>
        %add3A_549 = arith.addf %add3A_546, %add3A_499 : vector<16xf32>
        %mul3A_550 = arith.mulf %add3A_499, %add3A_499 : vector<16xf32>
        %add3A_551 = arith.addf %add3A_548, %mul3A_550 : vector<16xf32>
        %add3A_552 = arith.addf %add3A_549, %add3A_508 : vector<16xf32>
        %mul3A_553 = arith.mulf %add3A_508, %add3A_508 : vector<16xf32>
        %add3A_554 = arith.addf %add3A_551, %mul3A_553 : vector<16xf32>
        %add3A_555 = arith.addf %add3A_552, %add3A_517 : vector<16xf32>
        %mul3A_556 = arith.mulf %add3A_517, %add3A_517 : vector<16xf32>
        %add3A_557 = arith.addf %add3A_554, %mul3A_556 : vector<16xf32>
        %add3A_558 = arith.addf %add3A_555, %add3A_526 : vector<16xf32>
        %mul3A_559 = arith.mulf %add3A_526, %add3A_526 : vector<16xf32>
        %add3A_560 = arith.addf %add3A_557, %mul3A_559 : vector<16xf32>
        %add3A_561 = arith.addf %add3A_558, %add3A_535 : vector<16xf32>
        %mul3A_562 = arith.mulf %add3A_535, %add3A_535 : vector<16xf32>
        %add3A_563 = arith.addf %add3A_560, %mul3A_562 : vector<16xf32>
        %add3A_564 = arith.addf %add3A_561, %add3A_544 : vector<16xf32>
        %mul3A_565 = arith.mulf %add3A_544, %add3A_544 : vector<16xf32>
        %add3A_566 = arith.addf %add3A_563, %mul3A_565 : vector<16xf32>
        %iota3A_567 = tpu.iota {dimensions = array<i32: 0>} : vector<16xi32>
        %xor3A_568 = arith.constant 8 : i32
        %xor3A_569 = vector.broadcast %xor3A_568 : i32 to vector<16xi32>
        %xor3A_570 = arith.xori %iota3A_567, %xor3A_569 : vector<16xi32>
        %broadcast_in_dim3A_571 = vector.shape_cast %xor3A_570 : vector<16xi32> to vector<16x1xi32>
        %gather3A_572 = vector.shape_cast %broadcast_in_dim3A_571 : vector<16x1xi32> to vector<16xi32>
        %gather3A_573 = tpu.dynamic_gather %add3A_564[%gather3A_572] in [0] : vector<16xf32>, vector<16xi32> -> vector<16xf32>
        %add3A_574 = arith.addf %add3A_564, %gather3A_573 : vector<16xf32>
        %xor3A_575 = arith.constant 4 : i32
        %xor3A_576 = vector.broadcast %xor3A_575 : i32 to vector<16xi32>
        %xor3A_577 = arith.xori %iota3A_567, %xor3A_576 : vector<16xi32>
        %broadcast_in_dim3A_578 = vector.shape_cast %xor3A_577 : vector<16xi32> to vector<16x1xi32>
        %gather3A_579 = vector.shape_cast %broadcast_in_dim3A_578 : vector<16x1xi32> to vector<16xi32>
        %gather3A_580 = tpu.dynamic_gather %add3A_574[%gather3A_579] in [0] : vector<16xf32>, vector<16xi32> -> vector<16xf32>
        %add3A_581 = arith.addf %add3A_574, %gather3A_580 : vector<16xf32>
        %xor3A_582 = arith.constant 2 : i32
        %xor3A_583 = vector.broadcast %xor3A_582 : i32 to vector<16xi32>
        %xor3A_584 = arith.xori %iota3A_567, %xor3A_583 : vector<16xi32>
        %broadcast_in_dim3A_585 = vector.shape_cast %xor3A_584 : vector<16xi32> to vector<16x1xi32>
        %gather3A_586 = vector.shape_cast %broadcast_in_dim3A_585 : vector<16x1xi32> to vector<16xi32>
        %gather3A_587 = tpu.dynamic_gather %add3A_581[%gather3A_586] in [0] : vector<16xf32>, vector<16xi32> -> vector<16xf32>
        %add3A_588 = arith.addf %add3A_581, %gather3A_587 : vector<16xf32>
        %xor3A_589 = arith.constant 1 : i32
        %xor3A_590 = vector.broadcast %xor3A_589 : i32 to vector<16xi32>
        %xor3A_591 = arith.xori %iota3A_567, %xor3A_590 : vector<16xi32>
        %broadcast_in_dim3A_592 = vector.shape_cast %xor3A_591 : vector<16xi32> to vector<16x1xi32>
        %gather3A_593 = vector.shape_cast %broadcast_in_dim3A_592 : vector<16x1xi32> to vector<16xi32>
        %gather3A_594 = tpu.dynamic_gather %add3A_588[%gather3A_593] in [0] : vector<16xf32>, vector<16xi32> -> vector<16xf32>
        %add3A_595 = arith.addf %add3A_588, %gather3A_594 : vector<16xf32>
        %mul3A_596 = vector.broadcast %scan3A_34 : f32 to vector<16xf32>
        %mul3A_597 = arith.mulf %add3A_595, %mul3A_596 : vector<16xf32>
        %iota3A_598 = tpu.iota {dimensions = array<i32: 0>} : vector<16xi32>
        %xor3A_599 = arith.constant 8 : i32
        %xor3A_600 = vector.broadcast %xor3A_599 : i32 to vector<16xi32>
        %xor3A_601 = arith.xori %iota3A_598, %xor3A_600 : vector<16xi32>
        %broadcast_in_dim3A_602 = vector.shape_cast %xor3A_601 : vector<16xi32> to vector<16x1xi32>
        %gather3A_603 = vector.shape_cast %broadcast_in_dim3A_602 : vector<16x1xi32> to vector<16xi32>
        %gather3A_604 = tpu.dynamic_gather %add3A_566[%gather3A_603] in [0] : vector<16xf32>, vector<16xi32> -> vector<16xf32>
        %add3A_605 = arith.addf %add3A_566, %gather3A_604 : vector<16xf32>
        %xor3A_606 = arith.constant 4 : i32
        %xor3A_607 = vector.broadcast %xor3A_606 : i32 to vector<16xi32>
        %xor3A_608 = arith.xori %iota3A_598, %xor3A_607 : vector<16xi32>
        %broadcast_in_dim3A_609 = vector.shape_cast %xor3A_608 : vector<16xi32> to vector<16x1xi32>
        %gather3A_610 = vector.shape_cast %broadcast_in_dim3A_609 : vector<16x1xi32> to vector<16xi32>
        %gather3A_611 = tpu.dynamic_gather %add3A_605[%gather3A_610] in [0] : vector<16xf32>, vector<16xi32> -> vector<16xf32>
        %add3A_612 = arith.addf %add3A_605, %gather3A_611 : vector<16xf32>
        %xor3A_613 = arith.constant 2 : i32
        %xor3A_614 = vector.broadcast %xor3A_613 : i32 to vector<16xi32>
        %xor3A_615 = arith.xori %iota3A_598, %xor3A_614 : vector<16xi32>
        %broadcast_in_dim3A_616 = vector.shape_cast %xor3A_615 : vector<16xi32> to vector<16x1xi32>
        %gather3A_617 = vector.shape_cast %broadcast_in_dim3A_616 : vector<16x1xi32> to vector<16xi32>
        %gather3A_618 = tpu.dynamic_gather %add3A_612[%gather3A_617] in [0] : vector<16xf32>, vector<16xi32> -> vector<16xf32>
        %add3A_619 = arith.addf %add3A_612, %gather3A_618 : vector<16xf32>
        %xor3A_620 = arith.constant 1 : i32
        %xor3A_621 = vector.broadcast %xor3A_620 : i32 to vector<16xi32>
        %xor3A_622 = arith.xori %iota3A_598, %xor3A_621 : vector<16xi32>
        %broadcast_in_dim3A_623 = vector.shape_cast %xor3A_622 : vector<16xi32> to vector<16x1xi32>
        %gather3A_624 = vector.shape_cast %broadcast_in_dim3A_623 : vector<16x1xi32> to vector<16xi32>
        %gather3A_625 = tpu.dynamic_gather %add3A_619[%gather3A_624] in [0] : vector<16xf32>, vector<16xi32> -> vector<16xf32>
        %add3A_626 = arith.addf %add3A_619, %gather3A_625 : vector<16xf32>
        %mul3A_627 = vector.broadcast %scan3A_34 : f32 to vector<16xf32>
        %mul3A_628 = arith.mulf %add3A_626, %mul3A_627 : vector<16xf32>
        %mul3A_629 = arith.mulf %mul3A_597, %mul3A_597 : vector<16xf32>
        %sub3A_630 = arith.subf %mul3A_628, %mul3A_629 : vector<16xf32>
        %add3A_631 = vector.broadcast %scan3A_35 : f32 to vector<16xf32>
        %add3A_632 = arith.addf %sub3A_630, %add3A_631 : vector<16xf32>
        %bitcast_convert_type3A_633 = tpu.bitcast %add3A_632 : vector<16xf32> -> vector<16xi32>
        %shift_right_arithmetic3A_634 = arith.constant 1 : i32
        %shift_right_arithmetic3A_635 = vector.broadcast %shift_right_arithmetic3A_634 : i32 to vector<16xi32>
        %shift_right_arithmetic3A_636 = arith.shrsi %bitcast_convert_type3A_633, %shift_right_arithmetic3A_635 : vector<16xi32>
        %sub3A_637 = arith.constant 1597463007 : i32
        %sub3A_638 = vector.broadcast %sub3A_637 : i32 to vector<16xi32>
        %sub3A_639 = arith.subi %sub3A_638, %shift_right_arithmetic3A_636 : vector<16xi32>
        %bitcast_convert_type3A_640 = tpu.bitcast %sub3A_639 : vector<16xi32> -> vector<16xf32>
        %mul3A_641 = arith.constant 5.000000e-01 : f32
        %mul3A_642 = vector.broadcast %mul3A_641 : f32 to vector<16xf32>
        %mul3A_643 = arith.mulf %mul3A_642, %add3A_632 : vector<16xf32>
        %mul3A_644 = arith.mulf %mul3A_643, %bitcast_convert_type3A_640 : vector<16xf32>
        %mul3A_645 = arith.mulf %mul3A_644, %bitcast_convert_type3A_640 : vector<16xf32>
        %sub3A_646 = arith.constant 1.500000e+00 : f32
        %sub3A_647 = vector.broadcast %sub3A_646 : f32 to vector<16xf32>
        %sub3A_648 = arith.subf %sub3A_647, %mul3A_645 : vector<16xf32>
        %mul3A_649 = arith.mulf %bitcast_convert_type3A_640, %sub3A_648 : vector<16xf32>
        %mul3A_650 = arith.constant 5.000000e-01 : f32
        %mul3A_651 = vector.broadcast %mul3A_650 : f32 to vector<16xf32>
        %mul3A_652 = arith.mulf %mul3A_651, %add3A_632 : vector<16xf32>
        %mul3A_653 = arith.mulf %mul3A_652, %mul3A_649 : vector<16xf32>
        %mul3A_654 = arith.mulf %mul3A_653, %mul3A_649 : vector<16xf32>
        %sub3A_655 = arith.constant 1.500000e+00 : f32
        %sub3A_656 = vector.broadcast %sub3A_655 : f32 to vector<16xf32>
        %sub3A_657 = arith.subf %sub3A_656, %mul3A_654 : vector<16xf32>
        %mul3A_658 = arith.mulf %mul3A_649, %sub3A_657 : vector<16xf32>
        %mul3A_659 = arith.constant 5.000000e-01 : f32
        %mul3A_660 = vector.broadcast %mul3A_659 : f32 to vector<16xf32>
        %mul3A_661 = arith.mulf %mul3A_660, %add3A_632 : vector<16xf32>
        %mul3A_662 = arith.mulf %mul3A_661, %mul3A_658 : vector<16xf32>
        %mul3A_663 = arith.mulf %mul3A_662, %mul3A_658 : vector<16xf32>
        %sub3A_664 = arith.constant 1.500000e+00 : f32
        %sub3A_665 = vector.broadcast %sub3A_664 : f32 to vector<16xf32>
        %sub3A_666 = arith.subf %sub3A_665, %mul3A_663 : vector<16xf32>
        %mul3A_667 = arith.mulf %mul3A_658, %sub3A_666 : vector<16xf32>
        %sub3A_668 = arith.subf %add3A_481, %mul3A_597 : vector<16xf32>
        %mul3A_669 = arith.mulf %sub3A_668, %mul3A_667 : vector<16xf32>
        %mul3A_670 = arith.mulf %mul3A_669, %get3A_152 : vector<16xf32>
        %add3A_671 = arith.addf %mul3A_670, %get3A_176 : vector<16xf32>
        %swap3A_672 = arith.index_cast %add3A_213 : i32 to index
        %swap3A_673 = arith.constant 0 : index
        %swap3A_674 = tpu.vector_load %arg10[%swap3A_672, %swap3A_673] {strides = array<i32>} : memref<200x128xf32, #tpu.memory_space<vmem>>, vector<1x16xf32>,
        %swap3A_675 = vector.shape_cast %swap3A_674 : vector<1x16xf32> to vector<16xf32>
        %swap3A_676 = vector.shape_cast %add3A_671 : vector<16xf32> to vector<1x16xf32>
        tpu.vector_store %arg10[%swap3A_672, %swap3A_673], %swap3A_676 {strides = array<i32>} : memref<200x128xf32, #tpu.memory_space<vmem>>, vector<1x16xf32>,
        %sub3A_677 = arith.subf %add3A_490, %mul3A_597 : vector<16xf32>
        %mul3A_678 = arith.mulf %sub3A_677, %mul3A_667 : vector<16xf32>
        %mul3A_679 = arith.mulf %mul3A_678, %get3A_155 : vector<16xf32>
        %add3A_680 = arith.addf %mul3A_679, %get3A_179 : vector<16xf32>
        %swap3A_681 = arith.index_cast %add3A_213 : i32 to index
        %swap3A_682 = arith.constant 16 : index
        %swap3A_683 = tpu.vector_load %arg10[%swap3A_681, %swap3A_682] {strides = array<i32>} : memref<200x128xf32, #tpu.memory_space<vmem>>, vector<1x16xf32>,
        %swap3A_684 = vector.shape_cast %swap3A_683 : vector<1x16xf32> to vector<16xf32>
        %swap3A_685 = vector.shape_cast %add3A_680 : vector<16xf32> to vector<1x16xf32>
        tpu.vector_store %arg10[%swap3A_681, %swap3A_682], %swap3A_685 {strides = array<i32>} : memref<200x128xf32, #tpu.memory_space<vmem>>, vector<1x16xf32>,
        %sub3A_686 = arith.subf %add3A_499, %mul3A_597 : vector<16xf32>
        %mul3A_687 = arith.mulf %sub3A_686, %mul3A_667 : vector<16xf32>
        %mul3A_688 = arith.mulf %mul3A_687, %get3A_158 : vector<16xf32>
        %add3A_689 = arith.addf %mul3A_688, %get3A_182 : vector<16xf32>
        %swap3A_690 = arith.index_cast %add3A_213 : i32 to index
        %swap3A_691 = arith.constant 32 : index
        %swap3A_692 = tpu.vector_load %arg10[%swap3A_690, %swap3A_691] {strides = array<i32>} : memref<200x128xf32, #tpu.memory_space<vmem>>, vector<1x16xf32>,
        %swap3A_693 = vector.shape_cast %swap3A_692 : vector<1x16xf32> to vector<16xf32>
        %swap3A_694 = vector.shape_cast %add3A_689 : vector<16xf32> to vector<1x16xf32>
        tpu.vector_store %arg10[%swap3A_690, %swap3A_691], %swap3A_694 {strides = array<i32>} : memref<200x128xf32, #tpu.memory_space<vmem>>, vector<1x16xf32>,
        %sub3A_695 = arith.subf %add3A_508, %mul3A_597 : vector<16xf32>
        %mul3A_696 = arith.mulf %sub3A_695, %mul3A_667 : vector<16xf32>
        %mul3A_697 = arith.mulf %mul3A_696, %get3A_161 : vector<16xf32>
        %add3A_698 = arith.addf %mul3A_697, %get3A_185 : vector<16xf32>
        %swap3A_699 = arith.index_cast %add3A_213 : i32 to index
        %swap3A_700 = arith.constant 48 : index
        %swap3A_701 = tpu.vector_load %arg10[%swap3A_699, %swap3A_700] {strides = array<i32>} : memref<200x128xf32, #tpu.memory_space<vmem>>, vector<1x16xf32>,
        %swap3A_702 = vector.shape_cast %swap3A_701 : vector<1x16xf32> to vector<16xf32>
        %swap3A_703 = vector.shape_cast %add3A_698 : vector<16xf32> to vector<1x16xf32>
        tpu.vector_store %arg10[%swap3A_699, %swap3A_700], %swap3A_703 {strides = array<i32>} : memref<200x128xf32, #tpu.memory_space<vmem>>, vector<1x16xf32>,
        %sub3A_704 = arith.subf %add3A_517, %mul3A_597 : vector<16xf32>
        %mul3A_705 = arith.mulf %sub3A_704, %mul3A_667 : vector<16xf32>
        %mul3A_706 = arith.mulf %mul3A_705, %get3A_164 : vector<16xf32>
        %add3A_707 = arith.addf %mul3A_706, %get3A_188 : vector<16xf32>
        %swap3A_708 = arith.index_cast %add3A_213 : i32 to index
        %swap3A_709 = arith.constant 64 : index
        %swap3A_710 = tpu.vector_load %arg10[%swap3A_708, %swap3A_709] {strides = array<i32>} : memref<200x128xf32, #tpu.memory_space<vmem>>, vector<1x16xf32>,
        %swap3A_711 = vector.shape_cast %swap3A_710 : vector<1x16xf32> to vector<16xf32>
        %swap3A_712 = vector.shape_cast %add3A_707 : vector<16xf32> to vector<1x16xf32>
        tpu.vector_store %arg10[%swap3A_708, %swap3A_709], %swap3A_712 {strides = array<i32>} : memref<200x128xf32, #tpu.memory_space<vmem>>, vector<1x16xf32>,
        %sub3A_713 = arith.subf %add3A_526, %mul3A_597 : vector<16xf32>
        %mul3A_714 = arith.mulf %sub3A_713, %mul3A_667 : vector<16xf32>
        %mul3A_715 = arith.mulf %mul3A_714, %get3A_167 : vector<16xf32>
        %add3A_716 = arith.addf %mul3A_715, %get3A_191 : vector<16xf32>
        %swap3A_717 = arith.index_cast %add3A_213 : i32 to index
        %swap3A_718 = arith.constant 80 : index
        %swap3A_719 = tpu.vector_load %arg10[%swap3A_717, %swap3A_718] {strides = array<i32>} : memref<200x128xf32, #tpu.memory_space<vmem>>, vector<1x16xf32>,
        %swap3A_720 = vector.shape_cast %swap3A_719 : vector<1x16xf32> to vector<16xf32>
        %swap3A_721 = vector.shape_cast %add3A_716 : vector<16xf32> to vector<1x16xf32>
        tpu.vector_store %arg10[%swap3A_717, %swap3A_718], %swap3A_721 {strides = array<i32>} : memref<200x128xf32, #tpu.memory_space<vmem>>, vector<1x16xf32>,
        %sub3A_722 = arith.subf %add3A_535, %mul3A_597 : vector<16xf32>
        %mul3A_723 = arith.mulf %sub3A_722, %mul3A_667 : vector<16xf32>
        %mul3A_724 = arith.mulf %mul3A_723, %get3A_170 : vector<16xf32>
        %add3A_725 = arith.addf %mul3A_724, %get3A_194 : vector<16xf32>
        %swap3A_726 = arith.index_cast %add3A_213 : i32 to index
        %swap3A_727 = arith.constant 96 : index
        %swap3A_728 = tpu.vector_load %arg10[%swap3A_726, %swap3A_727] {strides = array<i32>} : memref<200x128xf32, #tpu.memory_space<vmem>>, vector<1x16xf32>,
        %swap3A_729 = vector.shape_cast %swap3A_728 : vector<1x16xf32> to vector<16xf32>
        %swap3A_730 = vector.shape_cast %add3A_725 : vector<16xf32> to vector<1x16xf32>
        tpu.vector_store %arg10[%swap3A_726, %swap3A_727], %swap3A_730 {strides = array<i32>} : memref<200x128xf32, #tpu.memory_space<vmem>>, vector<1x16xf32>,
        %sub3A_731 = arith.subf %add3A_544, %mul3A_597 : vector<16xf32>
        %mul3A_732 = arith.mulf %sub3A_731, %mul3A_667 : vector<16xf32>
        %mul3A_733 = arith.mulf %mul3A_732, %get3A_173 : vector<16xf32>
        %add3A_734 = arith.addf %mul3A_733, %get3A_197 : vector<16xf32>
        %swap3A_735 = arith.index_cast %add3A_213 : i32 to index
        %swap3A_736 = arith.constant 112 : index
        %swap3A_737 = tpu.vector_load %arg10[%swap3A_735, %swap3A_736] {strides = array<i32>} : memref<200x128xf32, #tpu.memory_space<vmem>>, vector<1x16xf32>,
        %swap3A_738 = vector.shape_cast %swap3A_737 : vector<1x16xf32> to vector<16xf32>
        %swap3A_739 = vector.shape_cast %add3A_734 : vector<16xf32> to vector<1x16xf32>
        tpu.vector_store %arg10[%swap3A_735, %swap3A_736], %swap3A_739 {strides = array<i32>} : memref<200x128xf32, #tpu.memory_space<vmem>>, vector<1x16xf32>,
      }
      %scan3A_202 = arith.constant 100 : i32
      %mul3A_203 = arith.constant 200 : i32
      %mul3A_204 = arith.muli %add3A_132, %mul3A_203 : i32
      %dma_start3A_205 = arith.constant 0 : i32
      %dma_start3A_206 = tpu.memref_slice %arg7[%mul3A_204, %dma_start3A_205] : memref<819200x128xf32, #tpu.memory_space<hbm>> -> memref<200x128xf32, #tpu.memory_space<hbm>>
      %dma_start3A_207 = arith.constant 0 : i32
      %dma_start3A_208 = tpu.memref_slice %arg7[%mul3A_204, %dma_start3A_207] : memref<819200x128xf32, #tpu.memory_space<hbm>> -> memref<200x128xf32, #tpu.memory_space<hbm>>
      tpu.enqueue_dma source(%arg10 : memref<200x128xf32, #tpu.memory_space<vmem>>) target(%dma_start3A_208 : memref<200x128xf32, #tpu.memory_space<hbm>>) target_semaphore(%arg17 : memref<!tpu.dma_semaphore, #tpu.memory_space<semaphore_mem>>)
    }
    %scan3A_40 = arith.constant 64 : i32
    %dma_wait3A = arith.constant 0 : i32
    %dma_wait3A_41 = arith.constant 0 : i32
    %dma_wait3A_42 = tpu.memref_slice %arg3[%dma_wait3A, %dma_wait3A_41] : memref<100000x128xf32, #tpu.memory_space<hbm>> -> memref<200x128xf32, #tpu.memory_space<hbm>>
    %dma_wait3A_43 = arith.constant 0 : i32
    %dma_wait3A_44 = arith.constant 0 : i32
    %dma_wait3A_45 = tpu.memref_slice %arg3[%dma_wait3A_43, %dma_wait3A_44] : memref<100000x128xf32, #tpu.memory_space<hbm>> -> memref<200x128xf32, #tpu.memory_space<hbm>>
    tpu.wait_dma2 semaphore(%arg16 : memref<!tpu.dma_semaphore, #tpu.memory_space<semaphore_mem>>) src(%dma_wait3A_45 : memref<200x128xf32, #tpu.memory_space<hbm>>) dst(%arg9 : memref<200x128xf32, #tpu.memory_space<vmem>>)
    %dma_wait3A_46 = arith.constant 0 : i32
    %dma_wait3A_47 = arith.constant 0 : i32
    %dma_wait3A_48 = tpu.memref_slice %arg3[%dma_wait3A_46, %dma_wait3A_47] : memref<100000x128xf32, #tpu.memory_space<hbm>> -> memref<200x128xf32, #tpu.memory_space<hbm>>
    %dma_wait3A_49 = arith.constant 0 : i32
    %dma_wait3A_50 = arith.constant 0 : i32
    %dma_wait3A_51 = tpu.memref_slice %arg3[%dma_wait3A_49, %dma_wait3A_50] : memref<100000x128xf32, #tpu.memory_space<hbm>> -> memref<200x128xf32, #tpu.memory_space<hbm>>
    tpu.wait_dma2 semaphore(%arg17 : memref<!tpu.dma_semaphore, #tpu.memory_space<semaphore_mem>>) src(%dma_wait3A_51 : memref<200x128xf32, #tpu.memory_space<hbm>>) dst(%arg10 : memref<200x128xf32, #tpu.memory_space<vmem>>)
    return
  }
}

</mosaic_0001>

<sc_bundles>
// kernel: kernel.3.cloned.1.call-start
scs
__scs_entry_jumppad:
0x0: {  	(pc) =	sbr.rel $0x88, $3  }
0x1: {  	(tag) =	ssettag $0x0;
	lr =	simm.s32 $0x1  }
0x2: {  	[smem:$0x3F9C] =	sst lr;
	_ =	strace $0xD0000000  }
0x3: {  	_ = 	snop  }
0x4: {  	_ = 	snop  }
0x5: {  	_ = 	snop  }
0x6: {  	_ = 	snop  }
0x7: {  	_ = 	snop  }
__scs_overlays_trampoline_lowered:
0x8: {  	[smem:$0x3FAB] =	sst s0  }
0x9: {  	[smem:$0x3FAC] =	sst s1  }
0xa: {  	[smem:$0x3FAD] =	sst s2  }
0xb: {  	[smem:$0x3FAE] =	sst s3  }
0xc: {  	[smem:$0x3FAF] =	sst s4  }
0xd: {  	[smem:$0x3FB0] =	sst s5  }
0xe: {  	[smem:$0x3FB1] =	sst s6  }
0xf: {  	[smem:$0x3FB2] =	sst s7  }
0x10: {  	[smem:$0x3FB3] =	sst s8  }
0x11: {  	[smem:$0x3FB4] =	sst s9;
	s0 =	simm.s32 @!p0 $0x0  }
0x12: {  	s1 =	sld [smem:$0x3F9A];
	s0 =	simm.s32 @p0 $0x1  }
0x13: {  	[smem:$0x3FB5] =	sst s0;
	s0 =	simm.s32 @!p1 $0x0  }
0x14: {  	s2 =	sld [smem:$0x3F99];
	s0 =	simm.s32 @p1 $0x1  }
0x15: {  	[smem:$0x3FB6] =	sst s0;
	s0 =	simm.s32 @!p2 $0x0  }
0x16: {  	s3 =	sld [smem:$0x3FDB];
	s0 =	simm.s32 @p2 $0x1  }
0x17: {  	s4 =	simm.s32 $0x1BF5;
	[smem:$0x3FB8] =	sst s0  }
0x18: {  	s0 =	sld [smem:$0x3F9B];
	_ =	swait.ge [sflag:s4], $0x0  }
0x19: {  	s7 =	sld [smem:$0x3F9C]  }
0x1a: {  	s8 =	sadd.s32 $0xFFFFE003, lr  }
0x1b: {  	s9 =	sadd.s32 $0xFFFFFEF7, lr;
	s5 =	simm.s32 $0xFFFFFFFF;
	p2 =	slt.u32 s8, $0xFFFFF086  }
0x1c: {  	p1 =	slt.u32 s9, $0xF7A;
	s5 =	simm.s32 @!p2 $0x0  }
0x1d: {  	s5 =	simm.s32 @p1 $0x1;
	p0 =	seq.s32 s7, s2  }
0x1e: {  	s7 =	smul.u32 @!p0 $0xF7A, s2;
	p2 =	seq.s32 @!p0 s5, $0x0  }
0x1f: {  	s9 =	smul.u32 $0xF7A, s1;
	s8 =	simm.s32 @!p0 $0x1BF5;
	p2 =	por !p2, p0  }
0x20: {  	[sflag:s8] =	ssyncset.s32 @!p0 $0xFFFFF086;
	s6 =	sadd.s32 @!p0 s3, s7;
	s7 =	simm.s32 @!p0 $0x108  }
0x21: {  	s3 =	sadd.s32 s3, s9;
	s6 =	sadd.s32 @!p0 $0x88, s6;
	s7 =	simm.s32 @p2 $0x1082  }
0x22: {  	[simem:s7], [sflag:s8] =	dma.local @!p0 [hbm:s6], $0xF7A  }
0x23: {  	s9 =	sor.u32 $0xD0000000, s2;
	s6 =	simm.s32 $0x108;
	_ =	swait.ge @!p0 [sflag:s8], $0x0  }
0x24: {  	s3 =	sadd.s32 $0x88, s3;
	s6 =	simm.s32 @!p1 $0x1082;
	[sflag:s4] =	ssyncset.s32 $0xFFFFF086  }
0x25: {  	[simem:s6], [sflag:s4] =	dma.local [hbm:s3], $0xF7A  }
0x26: {  	[smem:$0x3F9C] =	sst s1;
	(tag) =	ssettag s2;
	_ =	strace s9  }
0x27: {  	s1 =	sld [smem:$0x3FAC]  }
0x28: {  	s2 =	sld [smem:$0x3FAD]  }
0x29: {  	s4 =	sld [smem:$0x3FAF]  }
0x2a: {  	p0 =	seq.s32 s5, $0x0;
	s5 =	sld [smem:$0x3FB0]  }
0x2b: {  	s6 =	sld [smem:$0x3FB1]  }
0x2c: {  	s7 =	sld [smem:$0x3FB2]  }
0x2d: {  	s3 =	simm.s32 $0x108;
	s8 =	sld [smem:$0x3FB3]  }
0x2e: {  	s3 =	simm.s32 @!p0 $0x1082;
	s9 =	sld [smem:$0x3FB4]  }
0x2f: {  	lr =	sadd.s32 s0, s3;
	s0 =	sld [smem:$0x3FAB]  }
0x30: {  	s3 =	sld [smem:$0x3FAE]  }
0x31: {  	[smem:$0x3FB7] =	sst s10  }
0x32: {  	s10 =	sld [smem:$0x3FB5];
	_ =	sdelay $0x3  }
0x33: {  	p0 =	seq.s32 s10, $0x1;
	s10 =	sld [smem:$0x3FB7];
	_ =	sdelay $0x3  }
0x34: {  	[smem:$0x3FB7] =	sst s10  }
0x35: {  	s10 =	sld [smem:$0x3FB6];
	_ =	sdelay $0x3  }
0x36: {  	p1 =	seq.s32 s10, $0x1;
	s10 =	sld [smem:$0x3FB7];
	_ =	sdelay $0x3  }
0x37: {  	[smem:$0x3FB7] =	sst s10  }
0x38: {  	s10 =	sld [smem:$0x3FB8]  }
0x39: {  	_ = 	snop;
	(pc) =	sbr.ind lr, $3  }
0x3a: {  	_ = 	snop  }
0x3b: {  	_ = 	snop  }
0x3c: {  	p2 =	seq.s32 s10, $0x1;
	s10 =	sld [smem:$0x3FB7]  }
0x3d: {  	_ =	shalt  }
0x3e: {  	_ =	shalt  }
0x3f: {  	_ =	shalt  }
0x40: {  	_ =	shalt  }
0x41: {  	_ =	shalt  }
0x42: {  	_ =	shalt  }
0x43: {  	_ =	shalt  }
0x44: {  	_ =	shalt  }
0x45: {  	_ =	shalt  }
0x46: {  	_ =	shalt  }
0x47: {  	_ =	shalt  }
0x48: {  	_ =	shalt  }
0x49: {  	_ =	shalt  }
0x4a: {  	_ =	shalt  }
0x4b: {  	_ =	shalt  }
0x4c: {  	_ =	shalt  }
0x4d: {  	_ =	shalt  }
0x4e: {  	_ =	shalt  }
0x4f: {  	_ =	shalt  }
0x50: {  	_ =	shalt  }
0x51: {  	_ =	shalt  }
0x52: {  	_ =	shalt  }
0x53: {  	_ =	shalt  }
0x54: {  	_ =	shalt  }
0x55: {  	_ =	shalt  }
0x56: {  	_ =	shalt  }
0x57: {  	_ =	shalt  }
0x58: {  	_ =	shalt  }
0x59: {  	_ =	shalt  }
0x5a: {  	_ =	shalt  }
0x5b: {  	_ =	shalt  }
0x5c: {  	_ =	shalt  }
0x5d: {  	_ =	shalt  }
0x5e: {  	_ =	shalt  }
0x5f: {  	_ =	shalt  }
0x60: {  	_ =	shalt  }
0x61: {  	_ =	shalt  }
0x62: {  	_ =	shalt  }
0x63: {  	_ =	shalt  }
0x64: {  	_ =	shalt  }
0x65: {  	_ =	shalt  }
0x66: {  	_ =	shalt  }
0x67: {  	_ =	shalt  }
0x68: {  	_ =	shalt  }
0x69: {  	_ =	shalt  }
0x6a: {  	_ =	shalt  }
0x6b: {  	_ =	shalt  }
0x6c: {  	_ =	shalt  }
0x6d: {  	_ =	shalt  }
0x6e: {  	_ =	shalt  }
0x6f: {  	_ =	shalt  }
0x70: {  	_ =	shalt  }
0x71: {  	_ =	shalt  }
0x72: {  	_ =	shalt  }
0x73: {  	_ =	shalt  }
0x74: {  	_ =	shalt  }
0x75: {  	_ =	shalt  }
0x76: {  	_ =	shalt  }
0x77: {  	_ =	shalt  }
0x78: {  	_ =	shalt  }
0x79: {  	_ =	shalt  }
0x7a: {  	_ =	shalt  }
0x7b: {  	_ =	shalt  }
0x7c: {  	_ =	shalt  }
0x7d: {  	_ =	shalt  }
0x7e: {  	_ =	shalt  }
0x7f: {  	_ =	shalt  }
0x80: {  	_ =	shalt  }
0x81: {  	_ =	shalt  }
0x82: {  	_ =	shalt  }
0x83: {  	_ =	shalt  }
0x84: {  	_ =	shalt  }
0x85: {  	_ =	shalt  }
0x86: {  	_ =	shalt  }
0x87: {  	_ =	shalt  }
.Lfunc_end0:
.L_simem_size_0:
called_computation_lowered:
.L_overlay_start_0:
0x88: {  	s2 =	sld [smem:$0x3FD9]  }
0x89: {  	s3 =	sld [smem:$0x3FFE];
	_ =	sdelay $0x1  }
0x8a: {  	s1 =	srdreg.scid  }
0x8b: {  	s0 =	sand.u32 $0x1, s1  }
0x8c: {  	s17 =	sshll.u32 s0, $0xA;
	s2 =	sadd.s32 s3, s2  }
0x8d: {  	s2 =	sadd.s32 s2, s17  }
0x8e: {  	[smem:$0x3FC3] =	sst s2  }
0x8f: {  	_ = 	snop  }
0x90: {  	s2 =	sld [smem:$0x3FC8]  }
0x91: {  	s18 =	sld [smem:$0x3FC7]  }
0x92: {  	s4 =	sld [smem:$0x3FC6]  }
0x93: {  	s5 =	sld [smem:$0x3FC5]  }
0x94: {  	s6 =	sld [smem:$0x3FD0];
	(tm) =	ssettm $0x1  }
0x95: {  	s7 =	sld [smem:$0x3FFB];
	_ =	sdelay $0x3  }
0x96: {  	_ =	strace s7  }
0x97: {  	s7 =	sld [smem:$0x3FFC];
	_ =	sdelay $0x3  }
0x98: {  	_ =	strace s7  }
0x99: {  	s7 =	sld [smem:$0x3FFD];
	_ =	sdelay $0x3  }
0x9a: {  	_ =	strace s7  }
0x9b: {  	_ =	strace $0x8FFFFFFF  }
0x9c: {  	s19 =	sld [smem:$0x3FDB];
	_ =	sdelay $0x1  }
0x9d: {  	s8 =	simm.s32 $_scs_section_size  }
0x9e: {  	s9 =	simm.s32 $_size__tile_overlayer_lowered;
	s10 =	simm.s32 $_tile_overlayer_lowered  }
0x9f: {  	s22 =	simm.s32 $0x1BFF;
	s21 =	sshll.u32 s10, $0x1;
	s7 =	sadd.s32 s8, s19  }
0xa0: {  	s11 =	simm.s32 $0x0;
	s20 =	sshll.u32 s9, $0x1;
	s9 =	sadd.s32 s21, s7  }
0xa1: {  	[timem:s11], [sflag:s22] =	dma.local [hbm:s9], s20  }
0xa2: {  	_ =	swait.ge [sflag:s22], s20  }
0xa3: {  	s8 =	ssub.s32 $0x0, s20;
	[sflag:s22] =	ssyncset.done $0x0  }
0xa4: {  	[sflag:s22] =	ssyncadd.s32 s8;
	_ =	sdelay $0x1  }
0xa5: {  	s23 =	simm.s32 $0x1B8B  }
0xa6: {  	_ =	swait.ge [sflag:s23], $0x1  }
0xa7: {  	[sflag:s23] =	ssyncset.done $0x0  }
0xa8: {  	s25 =	simm.s32 $0x1B8E;
	s24 =	sld [smem:$0x3FFE];
	[sflag:s23] =	ssyncadd.s32 $0xFFFFFFFF  }
0xa9: {  	s26 =	simm.s32 $execute0_lowered;
	[smem:$0x3FD2] =	sst s25  }
0xaa: {  	s9 =	sshll.u32 s26, $0x1;
	_ =	strace $0x80000046;
	[dreg:$0x1] =	wrdreg $0xFFFFFFFF  }
0xab: {  	s28 =	simm.s32 $_size_execute0_lowered;
	s7 =	sadd.s32 s7, s9;
	[dreg:$0x0] =	wrdreg $0x0  }
0xac: {  	s9 =	sshll.u32 s28, $0x1;
	[dreg:$0x2] =	wrdreg s7  }
0xad: {  	[dreg:$0x3] =	wrdreg s9  }
0xae: {  	[dreg:$0x4] =	wrdreg $0xC0  }
0xaf: {  	_ =	task [dreg:s11], $0x5FFFF  }
0xb0: {  	[dreg:$0x1] =	wrdreg $0xFFFFFFFF  }
0xb1: {  	[dreg:$0x0] =	wrdreg $0x60  }
0xb2: {  	[dreg:$0x2] =	wrdreg s24  }
0xb3: {  	[dreg:$0x3] =	wrdreg s2  }
0xb4: {  	[dreg:$0x4] =	wrdreg s18  }
0xb5: {  	[dreg:$0x5] =	wrdreg s4  }
0xb6: {  	[dreg:$0x6] =	wrdreg s5  }
0xb7: {  	[dreg:$0x7] =	wrdreg s6  }
0xb8: {  	[dreg:$0x8] =	wrdreg $0x9  }
0xb9: {  	_ =	task.clear_ibuf [dreg:s11], $0x9FFFF;
	_ =	strace $0x90000046  }
0xba: {  	s29 =	simm.s32 $0x9;
	_ =	strace $0x80000048  }
0xbb: {  	_ =	swait.ge [sflag:s29], $0x1  }
0xbc: {  	[sflag:s29] =	ssyncadd.s32 $0xFFFFFFFF  }
0xbd: {  	_ =	strace $0x90000048  }
0xbe: {  	_ =	sfence  }
0xbf: {  	s30 =	sld [smem:$0x0];
	_ =	sdelay $0x2  }
0xc0: {  	s31 =	sshll.u32 s1, $0xD;
	s1 =	sshrl.u32 s1, $0x2  }
0xc1: {  	s3 =	sand.u32 $0x4000, s31;
	s1 =	sadd.s32 s1, s30  }
0xc2: {  	s0 =	sor.u32 s3, s0;
	s1 =	sshll.u32 s1, $0x11  }
0xc3: {  	s0 =	sor.u32 s1, s0  }
0xc4: {  	s0 =	sadd.s32 $0x8F2B, s0  }
0xc5: {  	[sflag:s0] =	ssyncadd.remote.s32 $0x1  }
0xc6: {  	_ =	sfence.sel $0xFFFF  }
0xc7: {  	[dreg:$0x0] =	wrdreg $0xFFFFFFFF;
	(pc) =	sbr.abs _section_cstart, $3  }
0xc8: {  	[dreg:$0x1] =	wrdreg $0xFFFFFFFF  }
0xc9: {  	_ =	task.clear_ibuf [dreg:s11], $0x2FFFF;
	_ =	strace $0x9FFFFFFF  }
0xca: {  	(tm) =	ssettm $0x7FFFFFFF  }
0xcb: {  	_ =	shalt  }
tec
execute0_lowered:
.L_overlay_start_1:
0x0: {  	(tag) =	ssettag $0x1  }
0x1: {  	s0 =	rddreg [dreg:$0x0]  }
0x2: {  	s1 =	rddreg [dreg:$0x1];
	v0 =	vimm.s32 $0xFEDCBA98  }
0x3: {  	s5 =	rddreg [dreg:$0x5];
	s6 =	simm.s32 $0x0;
	v1 =	vimm.s32 $0x76543210;
	v2 =	vimm.s32 $0xBA98FEDC;
	v3 =	vimm.s32 $0x32107654  }
0x4: {  	s2 =	srdreg.scid;
	s3 =	stileid.u32;
	v4 =	vimm.s32 $0xDCFE98BA;
	v5 =	vimm.s32 $0x54761032;
	s13 =	simm.s32 $0xCA00  }
0x5: {  	v6 =	vimm.s32 $0xEFCDAB89;
	v7 =	vimm.s32 $0x67452301;
	s14 =	simm.s32 $0x5;
	s15 =	simm.s32 $0x12E00;
	s16 =	simm.s32 $0x12E80  }
0x6: {  	s17 =	simm.s32 $0x64;
	s18 =	simm.s32 $0x200;
	s19 =	simm.s32 $0x80;
	v0 =	vunpack.c.l.s4.s8 v0;
	v1 =	vunpack.c.l.s4.s8 v1;
	v2 =	vunpack.c.l.s4.s8 v2  }
0x7: {  	s20 =	simm.s32 $0x3400;
	s21 =	simm.s32 $0x100;
	s22 =	simm.s32 $0x6600;
	v3 =	vunpack.c.l.s4.s8 v3;
	v4 =	vunpack.c.l.s4.s8 v4;
	v5 =	vunpack.c.l.s4.s8 v5  }
0x8: {  	s23 =	simm.s32 $0x180;
	s24 =	simm.s32 $0x9800;
	s25 =	simm.s32 $0x1;
	v6 =	vunpack.c.l.s4.s8 v6;
	v7 =	vunpack.c.l.s4.s8 v7;
	v0 =	vunpack.c.0.s8.s32 v0  }
0x9: {  	s26 =	simm.s32 $0x2;
	s28 =	simm.s32 $0x3;
	s29 =	simm.s32 $0x4;
	v2 =	vunpack.c.0.s8.s32 v2;
	v3 =	vunpack.c.0.s8.s32 v3;
	v4 =	vunpack.c.0.s8.s32 v4  }
0xa: {  	s30 =	simm.s32 $0x0;
	[smem:$0x7FF] =	sst s6;
	s2 =	sand.u32 $0x1, s2;
	v5 =	vunpack.c.0.s8.s32 v5;
	v6 =	vunpack.c.0.s8.s32 v6;
	v7 =	vunpack.c.0.s8.s32 v7  }
0xb: {  	s3 =	sshll.u32 s3, $0x1;
	s8 =	sadd.s32 $0x400, s0;
	s4 =	ssub.s32 $0x2, s2;
	v1 =	vunpack.c.0.s8.s32 v1;
	v2 =	vcombine.low v3, v2  }
0xc: {  	s11 =	sadd.s32 $0x420, s0;
	s2 =	sor.u32 s2, s3;
	s31 =	sshrl.u32 s4, $0x1;
	v3 =	vcombine.low v5, v4;
	v4 =	vcombine.low v7, v6;
	v0 =	vand.u32 $0xF, v0  }
0xd: {  	_ =	strace $0x80000047;
	s7 =	sshll.u32 s2, $0xC;
	s3 =	ssub.s32 s4, s31;
	v0 =	vcombine.low v0, v1  }
0xe: {  	s9 =	sshll.u32 s2, $0x7;
	s10 =	sadd.s32 s8, s7;
	s12 =	smax.u32 s3, $0x1;
	v1 =	vand.u32 $0xF, v2;
	v2 =	vand.u32 $0xF, v3;
	v3 =	vand.u32 $0xF, v4  }
.LBB2_1:
0xf: {  	s0 =	rddreg [dreg:$0x2]  }
0x10: {  	[tilespmem:s13], [sflag:$0x5] =	stream.linear.gather [hbm4b:s0+s6], $0x6400, $0x38;
	[tilespmem:$0x12F00] =	vst v63  }
0x11: {  	_ =	swait.ge [sflag:s14], $0x6400  }
0x12: {  	[sflag:s14] =	ssyncset.done $0x0  }
0x13: {  	[sflag:s14] =	ssyncadd.s32 $0xFFFF9C00  }
0x14: {  	s4 =	rddreg [dreg:$0x3]  }
0x15: {  	[tilespmem:s15], [sflag:$0x5] =	stream.linear.gather [hbm4b:s4+s6], $0x80, $0x38;
	[tilespmem:$0x12F00] =	vst v63  }
0x16: {  	_ =	swait.ge [sflag:s14], $0x80  }
0x17: {  	[sflag:s14] =	ssyncset.done $0x0  }
0x18: {  	[sflag:s14] =	ssyncadd.s32 $0xFFFFFF80  }
0x19: {  	s7 =	rddreg [dreg:$0x4]  }
0x1a: {  	[tilespmem:s16], [sflag:$0x5] =	stream.linear.gather [hbm4b:s7+s6], $0x80, $0x38;
	[tilespmem:$0x12F00] =	vst v63  }
0x1b: {  	_ =	swait.ge [sflag:s14], $0x80  }
0x1c: {  	[sflag:s14] =	ssyncset.done $0x0  }
0x1d: {  	[sflag:s14] =	ssyncadd.s32 $0xFFFFFF80  }
0x1e: {  	[tilespmem:s6], [sflag:$0x5] =	stream.linear.gather [hbm4b:s10+s6], $0x100, $0x38;
	[tilespmem:$0x12F00] =	vst v63  }
0x1f: {  	_ =	swait.ge [sflag:s14], $0x100  }
0x20: {  	[sflag:s14] =	ssyncset.done $0x0  }
0x21: {  	[sflag:s14] =	ssyncadd.s32 $0xFFFFFF00  }
0x22: {  	[tilespmem:s18], [sflag:$0x1] =	stream.indirect.gather [hbm4b:s1+s17], $0x80, s6, s17, $0xb8;
	[tilespmem:$0x12F00] =	vst v63  }
0x23: {  	s31 =	simm.s32 $0x0  }
0x24: {  	[tilespmem:s20], [sflag:$0x1] =	stream.indirect.gather [hbm4b:s1+s17], $0x80, s19, s17, $0xb8;
	[tilespmem:$0x12F00] =	vst v63  }
.LBB2_2:
0x25: {  	s0 =	sshll.u32 s31, $0x1  }
0x26: {  	s2 =	sadd.s32 $0xFFFFFFFE, s0  }
0x27: {  	s7 =	sor.u32 s9, s0;
	p0 =	sgt.u32 s2, $0x7D;
	s2 =	sshll.u32 s31, $0x6  }
0x28: {  	s4 =	sshll.u32 s7, $0x5;
	s3 =	simm.s32 @!p0 $0x4;
	s2 =	sand.u32 $0x40, s2  }
0x29: {  	s4 =	sand.u32 $0xFFFFF80, s4;
	_ =	swait.ge @!p0 [sflag:s3], $0x6400;
	s2 =	sadd.s32 s2, s8  }
0x2a: {  	s2 =	sadd.s32 s4, s2;
	[sflag:s3] =	ssyncset.done @!p0 $0x0  }
0x2b: {  	[sflag:s3] =	ssyncadd.s32 @!p0 $0xFFFF9C00;
	s2 =	sadd.s32 $0x20, s2  }
0x2c: {  	[tilespmem:s21], [sflag:$0x5] =	stream.linear.gather [hbm4b:s2+s6], $0x100, $0x38;
	[tilespmem:$0x12F00] =	vst v63  }
0x2d: {  	_ =	swait.ge [sflag:s14], $0x100  }
0x2e: {  	[sflag:s14] =	ssyncset.done $0x0  }
0x2f: {  	[sflag:s14] =	ssyncadd.s32 $0xFFFFFF00  }
0x30: {  	[tilespmem:s22], [sflag:$0x2] =	stream.indirect.gather [hbm4b:s1+s17], $0x80, s21, s17, $0xb8;
	[tilespmem:$0x12F00] =	vst v63  }
0x31: {  	_ = 	snop  }
0x32: {  	[tilespmem:s24], [sflag:$0x2] =	stream.indirect.gather [hbm4b:s1+s17], $0x80, s23, s17, $0xb8;
	[tilespmem:$0x12F00] =	vst v63  }
0x33: {  	_ =	swait.ge [sflag:s25], $0x6400  }
0x34: {  	[sflag:s25] =	ssyncset.done $0x0  }
0x35: {  	s2 =	simm.s32 $0xF0;
	[sflag:s25] =	ssyncadd.s32 $0xFFFF9C00  }
0x36: {  	v4 =	vld [tilespmem:s2+$0xC9A0]  }
0x37: {  	v5 =	vld [tilespmem:s2+$0xC990]  }
0x38: {  	v6 =	vld [tilespmem:s2+$0x190]  }
0x39: {  	v7 =	vld [tilespmem:s2+$0x1A0]  }
0x3a: {  	v8 =	vld [tilespmem:s2+$0xC9B0]  }
0x3b: {  	v9 =	vld [tilespmem:s2+$0x1B0]  }
0x3c: {  	v10 =	vld [tilespmem:s2+$0x1C0]  }
0x3d: {  	v11 =	vld [tilespmem:s2+$0xC9C0]  }
0x3e: {  	v14 =	vadd.f32 v5, v6;
	v12 =	vadd.f32 v4, v7;
	v4 =	vld [tilespmem:s2+$0x1D0]  }
0x3f: {  	v5 =	vld [tilespmem:s2+$0xC9D0]  }
0x40: {  	v6 =	vld [tilespmem:s2+$0xC9E0];
	v13 =	vadd.f32 v8, v9;
	v7 =	vmul.f32 v14, v14;
	v8 =	vmul.f32 v12, v12  }
0x41: {  	v9 =	vld [tilespmem:s2+$0x1E0];
	v15 =	vadd.f32 v12, v14  }
0x42: {  	v16 =	vadd.f32 v11, v10;
	v10 =	vld [tilespmem:s2+$0xC9F0];
	v7 =	vadd.f32 v8, v7;
	v8 =	vmul.f32 v13, v13  }
0x43: {  	v11 =	vld [tilespmem:s2+$0x1F0];
	v15 =	vadd.f32 v13, v15  }
0x44: {  	v17 =	vld [tilespmem:s2+$0xCA00];
	v18 =	vmul.f32 v16, v16;
	v28 =	vadd.f32 v5, v4;
	v7 =	vadd.f32 v8, v7  }
0x45: {  	v4 =	vld [tilespmem:s2+$0x200];
	v5 =	vadd.f32 v16, v15  }
0x46: {  	v29 =	vadd.f32 v6, v9;
	v6 =	vmul.f32 v28, v28;
	v7 =	vadd.f32 v18, v7  }
0x47: {  	v5 =	vadd.f32 v28, v5  }
0x48: {  	v30 =	vadd.f32 v10, v11;
	v8 =	vmul.f32 v29, v29;
	v6 =	vadd.f32 v6, v7  }
0x49: {  	v22 =	vld [tilespmem:s2+$0x150];
	v5 =	vadd.f32 v29, v5  }
0x4a: {  	v9 =	vld [tilespmem:s2+$0xC910];
	v17 =	vadd.f32 v17, v4;
	v4 =	vmul.f32 v30, v30;
	v6 =	vadd.f32 v8, v6  }
0x4b: {  	v11 =	vld [tilespmem:s2+$0xC940];
	v5 =	vadd.f32 v30, v5  }
0x4c: {  	v18 =	vld [tilespmem:s2+$0x130];
	v10 =	vmul.f32 v17, v17;
	v4 =	vadd.f32 v4, v6  }
0x4d: {  	v8 =	vld [tilespmem:s2+$0xC920];
	v5 =	vadd.f32 v17, v5  }
0x4e: {  	v6 =	vld [tilespmem:s2+$0x110];
	v4 =	vadd.f32 v10, v4  }
0x4f: {  	v10 =	vld [tilespmem:s2+$0x120];
	v15 =	vperm.xlane v5, v0  }
0x50: {  	v7 =	vld [tilespmem:s2+$0xC930];
	v19 =	vperm.xlane v4, v0  }
0x51: {  	v5 =	vadd.f32 v5, v15;
	v15 =	vld [tilespmem:s2+$0xC950]  }
0x52: {  	v4 =	vadd.f32 v19, v4;
	v19 =	vld [tilespmem:s2+$0x140]  }
0x53: {  	v20 =	vadd.f32 v9, v6;
	v24 =	vperm.xlane v5, v1  }
0x54: {  	v23 =	vadd.f32 v8, v10;
	v6 =	vperm.xlane v4, v1  }
0x55: {  	v21 =	vadd.f32 v7, v18;
	v7 =	vld [tilespmem:s2+$0xC960];
	v8 =	vmul.f32 v20, v20;
	v5 =	vadd.f32 v5, v24  }
0x56: {  	v9 =	vld [tilespmem:s2+$0x160];
	v10 =	vmul.f32 v23, v23;
	v4 =	vadd.f32 v6, v4;
	v6 =	vadd.f32 v23, v20  }
0x57: {  	v18 =	vld [tilespmem:s2+$0xC970];
	v22 =	vadd.f32 v15, v22;
	v15 =	vperm.xlane v5, v2;
	v25 =	vadd.f32 v11, v19  }
0x58: {  	v11 =	vld [tilespmem:s2+$0x170];
	v19 =	vmul.f32 v21, v21;
	v8 =	vadd.f32 v10, v8;
	v6 =	vadd.f32 v21, v6  }
0x59: {  	v10 =	vld [tilespmem:s2+$0x180];
	v24 =	vperm.xlane v4, v2;
	v5 =	vadd.f32 v5, v15  }
0x5a: {  	v15 =	vld [tilespmem:s2+$0xC980];
	v26 =	vmul.f32 v25, v25;
	v8 =	vadd.f32 v19, v8;
	v6 =	vadd.f32 v25, v6  }
0x5b: {  	v4 =	vadd.f32 v24, v4;
	v19 =	vperm.xlane v5, v3;
	v24 =	vadd.f32 v7, v9  }
0x5c: {  	v7 =	vmul.f32 v22, v22;
	v8 =	vadd.f32 v26, v8;
	v6 =	vadd.f32 v22, v6  }
0x5d: {  	v9 =	vperm.xlane v4, v3;
	v5 =	vadd.f32 v5, v19;
	v26 =	vadd.f32 v18, v11  }
0x5e: {  	v19 =	vmul.f32 v24, v24;
	v7 =	vadd.f32 v7, v8;
	v6 =	vadd.f32 v24, v6  }
0x5f: {  	v27 =	vadd.f32 v15, v10;
	v4 =	vadd.f32 v9, v4;
	v37 =	vmul.f32 $7.812500000e-03, v5  }
0x60: {  	v5 =	vmul.f32 v26, v26;
	v7 =	vadd.f32 v19, v7;
	v6 =	vadd.f32 v26, v6  }
0x61: {  	v4 =	vmul.f32 $7.812500000e-03, v4;
	v8 =	vmul.f32 v37, v37  }
0x62: {  	v10 =	vmul.f32 v27, v27;
	v5 =	vadd.f32 v5, v7;
	v6 =	vadd.f32 v27, v6  }
0x63: {  	v7 =	vsub.f32 v4, v8  }
0x64: {  	v11 =	vld [tilespmem:$0x12E40];
	v15 =	vadd.f32 v10, v5;
	v8 =	vperm.xlane v6, v0  }
0x65: {  	v9 =	vld [tilespmem:$0x12E00];
	v32 =	vsub.f32 v12, v37;
	v7 =	vadd.f32 $9.999999960e-13, v7  }
0x66: {  	v33 =	vsub.f32 v13, v37;
	v12 =	vld [tilespmem:$0x12E90];
	v18 =	vadd.f32 v6, v8;
	v6 =	vperm.xlane v15, v0  }
0x67: {  	v13 =	vld [tilespmem:$0x12EA0];
	v36 =	vsub.f32 v14, v37;
	v8 =	vshra.s32 v7, $0x1;
	v39 =	vmul.f32 $5.000000000e-01, v7  }
0x68: {  	v14 =	vld [tilespmem:$0x12ED0];
	v19 =	vsub.s32 $0x5F3759DF, v8;
	v31 =	vperm.xlane v18, v1;
	v34 =	vadd.f32 v6, v15  }
0x69: {  	v4 =	vld [tilespmem:$0x12E10];
	v15 =	vmul.f32 v19, v39  }
0x6a: {  	v5 =	vld [tilespmem:$0x12E20];
	v35 =	vadd.f32 v18, v31;
	v18 =	vperm.xlane v34, v1  }
0x6b: {  	v10 =	vld [tilespmem:$0x12E30];
	v31 =	vmul.f32 v19, v15  }
0x6c: {  	v7 =	vld [tilespmem:$0x12E50];
	v38 =	vperm.xlane v35, v2;
	v34 =	vadd.f32 v18, v34  }
0x6d: {  	v8 =	vld [tilespmem:$0x12E60];
	v40 =	vsub.f32 $1.500000000e+00, v31  }
0x6e: {  	v6 =	vld [tilespmem:$0x12E70];
	v31 =	vsub.f32 v16, v37;
	v41 =	vadd.f32 v35, v38;
	v16 =	vperm.xlane v34, v2  }
0x6f: {  	v15 =	vld [tilespmem:$0x12E80];
	v35 =	vmul.f32 v19, v40  }
0x70: {  	v18 =	vld [tilespmem:$0x12EB0];
	v63 =	vperm.xlane v41, v3;
	v34 =	vadd.f32 v16, v34  }
0x71: {  	v19 =	vld [tilespmem:$0x12EC0];
	v38 =	vsub.f32 v29, v37;
	v29 =	vsub.f32 v28, v37;
	v42 =	vmul.f32 v35, v39  }
0x72: {  	v28 =	vsub.f32 v17, v37;
	v17 =	vld [tilespmem:$0x12EF0];
	v40 =	vadd.f32 v41, v63;
	v41 =	vperm.xlane v34, v3  }
0x73: {  	s3 =	simm.s32 $0x7C0;
	v30 =	vsub.f32 v30, v37;
	v16 =	vld [tilespmem:$0x12EE0];
	v37 =	vmul.f32 v42, v35  }
.LBB2_3:
0x74: {  	p0 =	sne.s32 s3, $0x18FC0;
	v40 =	vmul.f32 $7.812500000e-03, v40;
	v34 =	vadd.f32 v41, v34;
	s4 =	smov.u32 s3;
	s3 =	sadd.s32 $0x400, s3  }
0x75: {  	v37 =	vsub.f32 $1.500000000e+00, v37  }
0x76: {  	v41 =	vmul.f32 $7.812500000e-03, v34;
	v42 =	vmul.f32 v40, v40;
	v43 =	vsub.f32 v20, v40  }
0x77: {  	v34 =	vsub.f32 v23, v40;
	v44 =	vsub.f32 v21, v40;
	v21 =	vmul.f32 v37, v35  }
0x78: {  	v35 =	vsub.f32 v24, v40;
	v20 =	vsub.f32 v41, v42  }
0x79: {  	v23 =	vsub.f32 v25, v40;
	v25 =	vsub.f32 v27, v40;
	v27 =	vmul.f32 v21, v39  }
0x7a: {  	v24 =	vsub.f32 v22, v40;
	v37 =	vadd.f32 $9.999999960e-13, v20  }
0x7b: {  	v20 =	vsub.f32 v26, v40;
	v22 =	vmul.f32 v27, v21  }
0x7c: {  	v26 =	vshra.s32 v37, $0x1;
	v27 =	vmul.f32 $5.000000000e-01, v37  }
0x7d: {  	v26 =	vsub.s32 $0x5F3759DF, v26;
	v22 =	vsub.f32 $1.500000000e+00, v22  }
0x7e: {  	v37 =	vmul.f32 v26, v27  }
0x7f: {  	v39 =	vmul.f32 v22, v21  }
0x80: {  	s4 =	sshra.s32 s4, $0x2;
	v22 =	vmul.f32 v26, v37  }
0x81: {  	v21 =	vld [tilespmem:s4+$0xC930];
	v32 =	vmul.f32 v39, v32;
	v33 =	vmul.f32 v39, v33  }
0x82: {  	v36 =	vmul.f32 v39, v36;
	v31 =	vmul.f32 v39, v31;
	v37 =	vld [tilespmem:s4+$0xC9B0];
	v40 =	vsub.f32 $1.500000000e+00, v22  }
0x83: {  	v38 =	vmul.f32 v39, v38;
	v33 =	vmul.f32 v33, v5  }
0x84: {  	v36 =	vmul.f32 v36, v9;
	v22 =	vld [tilespmem:s4+$0xC920];
	v26 =	vmul.f32 v26, v40  }
0x85: {  	v32 =	vmul.f32 v32, v4;
	v31 =	vmul.f32 v31, v10;
	v40 =	vld [tilespmem:s4+$0xC9A0];
	v33 =	vadd.f32 v33, v13  }
0x86: {  	v38 =	vmul.f32 v38, v7;
	v36 =	vadd.f32 v36, v15;
	v41 =	vld [tilespmem:s4+$0xC9E0];
	v42 =	vmul.f32 v26, v27  }
0x87: {  	v29 =	vmul.f32 v39, v29;
	v32 =	vadd.f32 v32, v12;
	v31 =	vadd.f32 v31, v18;
	v45 =	vld [tilespmem:s4+$0xC990];
	[tilespmem:s2+$0x1B0] =	vst v33  }
0x88: {  	v30 =	vmul.f32 v39, v30;
	v33 =	vld [tilespmem:s4+$0xC910];
	v42 =	vmul.f32 v42, v26;
	[tilespmem:s2+$0x190] =	vst v36;
	v36 =	vadd.f32 v38, v14  }
0x89: {  	v28 =	vmul.f32 v39, v28;
	v29 =	vmul.f32 v29, v11;
	v38 =	vld [tilespmem:s4+$0x1B0];
	[tilespmem:s2+$0x1C0] =	vst v31  }
0x8a: {  	v30 =	vmul.f32 v30, v8;
	v31 =	vld [tilespmem:s4+$0x190];
	v39 =	vsub.f32 $1.500000000e+00, v42;
	[tilespmem:s2+$0x1A0] =	vst v32  }
0x8b: {  	v28 =	vmul.f32 v28, v6;
	v29 =	vadd.f32 v29, v19;
	v32 =	vld [tilespmem:s4+$0x1A0];
	[tilespmem:s2+$0x1E0] =	vst v36  }
0x8c: {  	v30 =	vadd.f32 v30, v16;
	v36 =	vld [tilespmem:s4+$0x1E0];
	v26 =	vmul.f32 v39, v26  }
0x8d: {  	v28 =	vadd.f32 v28, v17;
	v39 =	vld [tilespmem:s4+$0x1C0];
	[tilespmem:s2+$0x1D0] =	vst v29  }
0x8e: {  	v29 =	vadd.f32 v37, v38;
	v37 =	vld [tilespmem:s4+$0xC9C0];
	v27 =	vmul.f32 v26, v27;
	[tilespmem:s2+$0x1F0] =	vst v30  }
0x8f: {  	[tilespmem:s2+$0x200] =	vst v28  }
0x90: {  	v30 =	vadd.f32 v45, v31;
	v27 =	vmul.f32 v27, v26  }
0x91: {  	v32 =	vadd.f32 v40, v32  }
0x92: {  	v28 =	vadd.f32 v41, v36;
	v38 =	vmul.f32 v30, v30;
	v36 =	vld [tilespmem:s4+$0xCA00];
	v27 =	vsub.f32 $1.500000000e+00, v27  }
0x93: {  	v31 =	vadd.f32 v37, v39;
	v37 =	vld [tilespmem:s4+$0x1D0];
	v39 =	vmul.f32 v32, v32  }
0x94: {  	v41 =	vadd.f32 v32, v30;
	v42 =	vmul.f32 v28, v28;
	v40 =	vld [tilespmem:s4+$0xC9D0];
	v26 =	vmul.f32 v27, v26  }
0x95: {  	v27 =	vld [tilespmem:s4+$0xC9F0];
	v38 =	vadd.f32 v39, v38;
	v39 =	vmul.f32 v29, v29;
	v45 =	vmul.f32 v31, v31  }
0x96: {  	v41 =	vadd.f32 v29, v41;
	v46 =	vld [tilespmem:s4+$0x1F0];
	v43 =	vmul.f32 v26, v43;
	v44 =	vmul.f32 v26, v44  }
0x97: {  	v35 =	vmul.f32 v26, v35;
	v47 =	vld [tilespmem:s4+$0x200];
	v38 =	vadd.f32 v39, v38;
	v39 =	vmul.f32 v26, v34  }
0x98: {  	v41 =	vadd.f32 v31, v41;
	v25 =	vmul.f32 v26, v25;
	v43 =	vmul.f32 v43, v9  }
0x99: {  	v23 =	vmul.f32 v26, v23;
	v34 =	vadd.f32 v40, v37;
	v40 =	vmul.f32 v35, v7  }
0x9a: {  	v24 =	vmul.f32 v26, v24;
	v25 =	vmul.f32 v25, v6;
	v43 =	vadd.f32 v43, v15  }
0x9b: {  	v44 =	vmul.f32 v44, v5;
	v37 =	vadd.f32 v27, v46;
	v27 =	vmul.f32 v34, v34  }
0x9c: {  	v23 =	vmul.f32 v23, v10;
	v24 =	vmul.f32 v24, v11;
	v35 =	vadd.f32 v36, v47;
	[tilespmem:s2+$0x110] =	vst v43  }
0x9d: {  	v20 =	vmul.f32 v26, v20;
	v38 =	vadd.f32 v45, v38;
	v36 =	vld [tilespmem:s4+$0x110];
	v43 =	vmul.f32 v37, v37  }
0x9e: {  	v39 =	vmul.f32 v39, v4;
	v23 =	vadd.f32 v23, v18;
	v26 =	vadd.f32 v34, v41  }
0x9f: {  	v24 =	vadd.f32 v24, v19;
	v27 =	vadd.f32 v27, v38;
	v38 =	vmul.f32 v35, v35  }
0xa0: {  	v39 =	vadd.f32 v39, v12;
	v26 =	vadd.f32 v28, v26;
	[tilespmem:s2+$0x140] =	vst v23;
	v23 =	vmul.f32 v20, v8  }
0xa1: {  	v41 =	vadd.f32 v44, v13;
	v27 =	vadd.f32 v42, v27;
	[tilespmem:s2+$0x150] =	vst v24  }
0xa2: {  	v24 =	vadd.f32 v40, v14;
	v20 =	vadd.f32 v33, v36;
	v33 =	vld [tilespmem:s4+$0xC940];
	[tilespmem:s2+$0x120] =	vst v39  }
0xa3: {  	v27 =	vadd.f32 v43, v27;
	v23 =	vadd.f32 v23, v16;
	v36 =	vld [tilespmem:s4+$0xC970];
	[tilespmem:s2+$0x130] =	vst v41  }
0xa4: {  	v26 =	vadd.f32 v37, v26;
	v39 =	vld [tilespmem:s4+$0xC960];
	v40 =	vmul.f32 v20, v20;
	[tilespmem:s2+$0x160] =	vst v24;
	v24 =	vadd.f32 v25, v17  }
0xa5: {  	v27 =	vadd.f32 v38, v27;
	v25 =	vld [tilespmem:s4+$0x130];
	[tilespmem:s2+$0x170] =	vst v23  }
0xa6: {  	v26 =	vadd.f32 v35, v26;
	v23 =	vld [tilespmem:s4+$0x160];
	[tilespmem:s2+$0x180] =	vst v24;
	s2 =	smov.u32 s4  }
0xa7: {  	v24 =	vperm.xlane v27, v0;
	v38 =	vld [tilespmem:s2+$0x120]  }
0xa8: {  	v42 =	vperm.xlane v26, v0;
	v41 =	vld [tilespmem:s2+$0x150]  }
0xa9: {  	v27 =	vadd.f32 v24, v27;
	v43 =	vld [tilespmem:s2+$0xC950]  }
0xaa: {  	v42 =	vadd.f32 v26, v42;
	v21 =	vadd.f32 v21, v25;
	v25 =	vld [tilespmem:s2+$0x170]  }
0xab: {  	v26 =	vperm.xlane v27, v1;
	v44 =	vld [tilespmem:s2+$0x140];
	v24 =	vadd.f32 v39, v23  }
0xac: {  	v45 =	vperm.xlane v42, v1;
	v23 =	vadd.f32 v22, v38;
	v38 =	vld [tilespmem:s2+$0x180];
	v39 =	vmul.f32 v21, v21  }
0xad: {  	v27 =	vadd.f32 v26, v27  }
0xae: {  	v46 =	vmul.f32 v24, v24;
	v22 =	vadd.f32 v43, v41;
	v41 =	vld [tilespmem:s2+$0xC980];
	v43 =	vadd.f32 v23, v20  }
0xaf: {  	v26 =	vadd.f32 v36, v25;
	v36 =	vadd.f32 v42, v45;
	v42 =	vperm.xlane v27, v2  }
0xb0: {  	v25 =	vadd.f32 v33, v44;
	v33 =	vmul.f32 v23, v23;
	v44 =	vmul.f32 v22, v22  }
0xb1: {  	v45 =	vmul.f32 v26, v26;
	v47 =	vperm.xlane v36, v2;
	v42 =	vadd.f32 v42, v27  }
0xb2: {  	v33 =	vadd.f32 v33, v40;
	v40 =	vadd.f32 v21, v43;
	v43 =	vmul.f32 v25, v25  }
0xb3: {  	v27 =	vadd.f32 v41, v38;
	v36 =	vadd.f32 v36, v47;
	v38 =	vperm.xlane v42, v3  }
0xb4: {  	v33 =	vadd.f32 v39, v33;
	v39 =	vadd.f32 v25, v40  }
0xb5: {  	v40 =	vmul.f32 v27, v27;
	v41 =	vperm.xlane v36, v3;
	v38 =	vadd.f32 v38, v42  }
0xb6: {  	v33 =	vadd.f32 v43, v33;
	v39 =	vadd.f32 v22, v39  }
0xb7: {  	v36 =	vadd.f32 v36, v41  }
0xb8: {  	v33 =	vadd.f32 v44, v33;
	v39 =	vadd.f32 v24, v39  }
0xb9: {  	v41 =	vmul.f32 $7.812500000e-03, v36;
	v36 =	vmul.f32 $7.812500000e-03, v38  }
0xba: {  	v38 =	vadd.f32 v46, v33;
	v39 =	vadd.f32 v26, v39  }
0xbb: {  	v42 =	vmul.f32 v41, v41;
	v32 =	vsub.f32 v32, v41;
	v33 =	vsub.f32 v29, v41  }
0xbc: {  	v29 =	vadd.f32 v45, v38;
	v39 =	vadd.f32 v27, v39  }
0xbd: {  	v38 =	vsub.f32 v36, v42;
	v36 =	vsub.f32 v30, v41  }
0xbe: {  	v31 =	vsub.f32 v31, v41;
	v40 =	vadd.f32 v40, v29;
	v29 =	vperm.xlane v39, v0  }
0xbf: {  	v30 =	vadd.f32 $9.999999960e-13, v38;
	v38 =	vsub.f32 v28, v41  }
0xc0: {  	v42 =	vadd.f32 v39, v29;
	v28 =	vperm.xlane v40, v0;
	v29 =	vsub.f32 v34, v41  }
0xc1: {  	v34 =	vshra.s32 v30, $0x1;
	v39 =	vmul.f32 $5.000000000e-01, v30;
	v30 =	vsub.f32 v37, v41  }
0xc2: {  	v37 =	vperm.xlane v42, v1;
	v40 =	vadd.f32 v28, v40;
	v34 =	vsub.s32 $0x5F3759DF, v34  }
0xc3: {  	v28 =	vsub.f32 v35, v41;
	v43 =	vmul.f32 v34, v39  }
0xc4: {  	v35 =	vadd.f32 v42, v37;
	v37 =	vperm.xlane v40, v1  }
0xc5: {  	v41 =	vmul.f32 v34, v43  }
0xc6: {  	v42 =	vperm.xlane v35, v2;
	v37 =	vadd.f32 v37, v40  }
0xc7: {  	v40 =	vsub.f32 $1.500000000e+00, v41  }
0xc8: {  	v41 =	vadd.f32 v35, v42;
	v42 =	vperm.xlane v37, v2  }
.Ltmp0:
0xc9: {  	v35 =	vmul.f32 v34, v40;
	(pc) =	sbr.rel @p0 .LBB2_3-.Ltmp0, $4  }
0xca: {  	v40 =	vperm.xlane v41, v3;
	v34 =	vadd.f32 v42, v37  }
0xcb: {  	v37 =	vmul.f32 v35, v39  }
0xcc: {  	v40 =	vadd.f32 v41, v40;
	v41 =	vperm.xlane v34, v3  }
0xcd: {  	v37 =	vmul.f32 v37, v35  }
0xce: {  	v40 =	vmul.f32 $7.812500000e-03, v40;
	v34 =	vadd.f32 v41, v34;
	_ =	sdelay $0x1  }
0xcf: {  	v34 =	vmul.f32 $7.812500000e-03, v34;
	v51 =	vmul.f32 v40, v40;
	_ =	sdelay $0x1  }
0xd0: {  	v34 =	vsub.f32 v34, v51;
	_ =	sdelay $0x1  }
0xd1: {  	v34 =	vadd.f32 $9.999999960e-13, v34;
	_ =	sdelay $0x1  }
0xd2: {  	v52 =	vshra.s32 v34, $0x1;
	v34 =	vmul.f32 $5.000000000e-01, v34  }
0xd3: {  	v41 =	vsub.s32 $0x5F3759DF, v52  }
0xd4: {  	v42 =	vmul.f32 v41, v34;
	_ =	sdelay $0x1  }
0xd5: {  	v37 =	vsub.f32 $1.500000000e+00, v37;
	v42 =	vmul.f32 v41, v42;
	_ =	sdelay $0x1  }
0xd6: {  	v35 =	vmul.f32 v37, v35;
	v42 =	vsub.f32 $1.500000000e+00, v42;
	_ =	sdelay $0x1  }
0xd7: {  	v39 =	vmul.f32 v35, v39;
	v53 =	vmul.f32 v41, v42;
	_ =	sdelay $0x1  }
0xd8: {  	v39 =	vmul.f32 v39, v35;
	v41 =	vmul.f32 v53, v34;
	_ =	sdelay $0x1  }
0xd9: {  	v39 =	vsub.f32 $1.500000000e+00, v39;
	v41 =	vmul.f32 v41, v53;
	_ =	sdelay $0x1  }
0xda: {  	v35 =	vmul.f32 v39, v35;
	v41 =	vsub.f32 $1.500000000e+00, v41  }
0xdb: {  	v20 =	vsub.f32 v20, v40  }
0xdc: {  	v23 =	vsub.f32 v23, v40;
	v32 =	vmul.f32 v35, v32;
	v37 =	vmul.f32 v41, v53  }
0xdd: {  	v21 =	vsub.f32 v21, v40;
	v33 =	vmul.f32 v35, v33;
	v36 =	vmul.f32 v35, v36  }
0xde: {  	v24 =	vsub.f32 v24, v40;
	v31 =	vmul.f32 v35, v31;
	v34 =	vmul.f32 v37, v34  }
0xdf: {  	v25 =	vsub.f32 v25, v40;
	v38 =	vmul.f32 v35, v38;
	v29 =	vmul.f32 v35, v29  }
0xe0: {  	v27 =	vsub.f32 v27, v40;
	v33 =	vmul.f32 v33, v5;
	v34 =	vmul.f32 v34, v37  }
0xe1: {  	v22 =	vsub.f32 v22, v40;
	v30 =	vmul.f32 v35, v30;
	v36 =	vmul.f32 v36, v9  }
0xe2: {  	v31 =	vmul.f32 v31, v10;
	v33 =	vadd.f32 v33, v13;
	v34 =	vsub.f32 $1.500000000e+00, v34  }
0xe3: {  	v28 =	vmul.f32 v35, v28;
	v32 =	vmul.f32 v32, v4;
	v36 =	vadd.f32 v36, v15  }
0xe4: {  	v38 =	vmul.f32 v38, v7;
	v31 =	vadd.f32 v31, v18;
	[tilespmem:s2+$0x1B0] =	vst v33;
	v54 =	vmul.f32 v34, v37  }
0xe5: {  	v29 =	vmul.f32 v29, v11;
	v30 =	vmul.f32 v30, v8;
	v32 =	vadd.f32 v32, v12;
	[tilespmem:s2+$0x190] =	vst v36  }
0xe6: {  	v28 =	vmul.f32 v28, v6;
	v55 =	vadd.f32 v38, v14;
	[tilespmem:s2+$0x1C0] =	vst v31;
	v20 =	vmul.f32 v54, v20  }
0xe7: {  	v29 =	vadd.f32 v29, v19;
	[tilespmem:s2+$0x1A0] =	vst v32;
	v25 =	vmul.f32 v54, v25;
	v23 =	vmul.f32 v54, v23  }
0xe8: {  	v30 =	vadd.f32 v30, v16;
	[tilespmem:s2+$0x1E0] =	vst v55;
	v21 =	vmul.f32 v54, v21;
	v9 =	vmul.f32 v20, v9  }
0xe9: {  	[tilespmem:s2+$0x1D0] =	vst v29;
	v20 =	vmul.f32 v54, v22;
	v22 =	vadd.f32 v28, v17;
	v10 =	vmul.f32 v25, v10  }
0xea: {  	v26 =	vsub.f32 v26, v40;
	[tilespmem:s2+$0x1F0] =	vst v30;
	v4 =	vmul.f32 v23, v4;
	v9 =	vadd.f32 v9, v15  }
0xeb: {  	v5 =	vmul.f32 v21, v5;
	[tilespmem:s2+$0x200] =	vst v22;
	v15 =	vmul.f32 v54, v24;
	v10 =	vadd.f32 v10, v18  }
0xec: {  	v11 =	vmul.f32 v20, v11;
	v4 =	vadd.f32 v4, v12;
	[tilespmem:s2+$0x110] =	vst v9;
	v9 =	vmul.f32 v54, v26  }
0xed: {  	v18 =	vmul.f32 v54, v27;
	v5 =	vadd.f32 v5, v13;
	v7 =	vmul.f32 v15, v7;
	[tilespmem:s2+$0x140] =	vst v10  }
0xee: {  	v11 =	vadd.f32 v11, v19;
	[tilespmem:s2+$0x120] =	vst v4;
	v8 =	vmul.f32 v9, v8  }
0xef: {  	v6 =	vmul.f32 v18, v6;
	[tilespmem:s2+$0x130] =	vst v5;
	v4 =	vadd.f32 v7, v14  }
0xf0: {  	[tilespmem:s2+$0x150] =	vst v11;
	v5 =	vadd.f32 v8, v16  }
0xf1: {  	s3 =	smul.u32 $0xC80, s7;
	s0 =	sor.u32 $0x1, s0;
	[tilespmem:s2+$0x160] =	vst v4;
	v4 =	vadd.f32 v6, v17  }
0xf2: {  	p0 =	sgt.u32 s0, $0x7E;
	[tilespmem:s2+$0x170] =	vst v5  }
0xf3: {  	s7 =	sadd.s32 s5, s3;
	[tilespmem:s2+$0x180] =	vst v4;
	s2 =	simm.s32 @!p0 $0x3  }
0xf4: {  	[hbm4b:s7+s6] =	stream.linear.scatter [tilespmem:s18], [sflag:$0x3], $0x6400, $0x38;
	[tilespmem:$0x12F00] =	vst v63  }
0xf5: {  	s0 =	sor.u32 s9, s0;
	_ =	swait.ge @!p0 [sflag:s2], $0x6400  }
0xf6: {  	s3 =	sshll.u32 @!p0 s0, $0x5;
	[sflag:s2] =	ssyncset.done @!p0 $0x0  }
0xf7: {  	[sflag:s2] =	ssyncadd.s32 @!p0 $0xFFFF9C00;
	s2 =	sadd.s32 @!p0 s3, s11;
	s3 =	simm.s32 @!p0 $0x0  }
0xf8: {  	[tilespmem:s3], [sflag:$0x5] =	stream.linear.gather @!p0 [hbm4b:s2+s3], $0x100, $0x38;
	[tilespmem:$0x12F00] =	vst v63  }
0xf9: {  	s2 =	simm.s32 @!p0 $0x5  }
0xfa: {  	_ =	swait.ge @!p0 [sflag:s2], $0x100  }
0xfb: {  	[sflag:s2] =	ssyncset.done @!p0 $0x0  }
0xfc: {  	s4 =	simm.s32 @!p0 $0x200;
	[sflag:s2] =	ssyncadd.s32 @!p0 $0xFFFFFF00;
	s2 =	simm.s32 @!p0 $0x64  }
0xfd: {  	[tilespmem:s4], [sflag:$0x1] =	stream.indirect.gather @!p0 [hbm4b:s1+s2], $0x80, s3, s2, $0xb8;
	[tilespmem:$0x12F00] =	vst v63  }
0xfe: {  	s3 =	simm.s32 @!p0 $0x80;
	s4 =	simm.s32 @!p0 $0x3400  }
0xff: {  	[tilespmem:s4], [sflag:$0x1] =	stream.indirect.gather @!p0 [hbm4b:s1+s2], $0x80, s3, s2, $0xb8;
	[tilespmem:$0x12F00] =	vst v63  }
0x100: {  	_ =	swait.ge [sflag:s26], $0x6400  }
0x101: {  	[sflag:s26] =	ssyncset.done $0x0  }
0x102: {  	s2 =	simm.s32 $0xF0;
	[sflag:s26] =	ssyncadd.s32 $0xFFFF9C00  }
0x103: {  	v4 =	vld [tilespmem:s2+$0xC9A0]  }
0x104: {  	v5 =	vld [tilespmem:s2+$0xC990]  }
0x105: {  	v6 =	vld [tilespmem:s2+$0x6590]  }
0x106: {  	v7 =	vld [tilespmem:s2+$0x65A0]  }
0x107: {  	v8 =	vld [tilespmem:s2+$0xC9B0]  }
0x108: {  	v9 =	vld [tilespmem:s2+$0x65B0]  }
0x109: {  	v10 =	vld [tilespmem:s2+$0x65C0]  }
0x10a: {  	v11 =	vld [tilespmem:s2+$0xC9C0]  }
0x10b: {  	v14 =	vadd.f32 v5, v6;
	v12 =	vadd.f32 v4, v7;
	v4 =	vld [tilespmem:s2+$0x65D0]  }
0x10c: {  	v5 =	vld [tilespmem:s2+$0xC9D0]  }
0x10d: {  	v6 =	vld [tilespmem:s2+$0xC9E0];
	v13 =	vadd.f32 v8, v9;
	v7 =	vmul.f32 v14, v14;
	v8 =	vmul.f32 v12, v12  }
0x10e: {  	v9 =	vld [tilespmem:s2+$0x65E0];
	v15 =	vadd.f32 v12, v14  }
0x10f: {  	v16 =	vadd.f32 v11, v10;
	v10 =	vld [tilespmem:s2+$0xC9F0];
	v7 =	vadd.f32 v8, v7;
	v8 =	vmul.f32 v13, v13  }
0x110: {  	v11 =	vld [tilespmem:s2+$0x65F0];
	v15 =	vadd.f32 v13, v15  }
0x111: {  	v17 =	vld [tilespmem:s2+$0xCA00];
	v18 =	vmul.f32 v16, v16;
	v28 =	vadd.f32 v5, v4;
	v7 =	vadd.f32 v8, v7  }
0x112: {  	v4 =	vld [tilespmem:s2+$0x6600];
	v5 =	vadd.f32 v16, v15  }
0x113: {  	v29 =	vadd.f32 v6, v9;
	v6 =	vmul.f32 v28, v28;
	v7 =	vadd.f32 v18, v7  }
0x114: {  	v5 =	vadd.f32 v28, v5  }
0x115: {  	v30 =	vadd.f32 v10, v11;
	v8 =	vmul.f32 v29, v29;
	v6 =	vadd.f32 v6, v7  }
0x116: {  	v22 =	vld [tilespmem:s2+$0x6550];
	v5 =	vadd.f32 v29, v5  }
0x117: {  	v9 =	vld [tilespmem:s2+$0xC910];
	v17 =	vadd.f32 v17, v4;
	v4 =	vmul.f32 v30, v30;
	v6 =	vadd.f32 v8, v6  }
0x118: {  	v11 =	vld [tilespmem:s2+$0xC940];
	v5 =	vadd.f32 v30, v5  }
0x119: {  	v18 =	vld [tilespmem:s2+$0x6530];
	v10 =	vmul.f32 v17, v17;
	v4 =	vadd.f32 v4, v6  }
0x11a: {  	v8 =	vld [tilespmem:s2+$0xC920];
	v5 =	vadd.f32 v17, v5  }
0x11b: {  	v6 =	vld [tilespmem:s2+$0x6510];
	v4 =	vadd.f32 v10, v4  }
0x11c: {  	v10 =	vld [tilespmem:s2+$0x6520];
	v15 =	vperm.xlane v5, v0  }
0x11d: {  	v7 =	vld [tilespmem:s2+$0xC930];
	v19 =	vperm.xlane v4, v0  }
0x11e: {  	v5 =	vadd.f32 v5, v15;
	v15 =	vld [tilespmem:s2+$0xC950]  }
0x11f: {  	v4 =	vadd.f32 v19, v4;
	v19 =	vld [tilespmem:s2+$0x6540]  }
0x120: {  	v20 =	vadd.f32 v9, v6;
	v24 =	vperm.xlane v5, v1  }
0x121: {  	v23 =	vadd.f32 v8, v10;
	v6 =	vperm.xlane v4, v1  }
0x122: {  	v21 =	vadd.f32 v7, v18;
	v7 =	vld [tilespmem:s2+$0xC960];
	v8 =	vmul.f32 v20, v20;
	v5 =	vadd.f32 v5, v24  }
0x123: {  	v9 =	vld [tilespmem:s2+$0x6560];
	v10 =	vmul.f32 v23, v23;
	v4 =	vadd.f32 v6, v4;
	v6 =	vadd.f32 v23, v20  }
0x124: {  	v18 =	vld [tilespmem:s2+$0xC970];
	v22 =	vadd.f32 v15, v22;
	v15 =	vperm.xlane v5, v2;
	v25 =	vadd.f32 v11, v19  }
0x125: {  	v11 =	vld [tilespmem:s2+$0x6570];
	v19 =	vmul.f32 v21, v21;
	v8 =	vadd.f32 v10, v8;
	v6 =	vadd.f32 v21, v6  }
0x126: {  	v10 =	vld [tilespmem:s2+$0x6580];
	v24 =	vperm.xlane v4, v2;
	v5 =	vadd.f32 v5, v15  }
0x127: {  	v15 =	vld [tilespmem:s2+$0xC980];
	v26 =	vmul.f32 v25, v25;
	v8 =	vadd.f32 v19, v8;
	v6 =	vadd.f32 v25, v6  }
0x128: {  	v4 =	vadd.f32 v24, v4;
	v19 =	vperm.xlane v5, v3;
	v24 =	vadd.f32 v7, v9  }
0x129: {  	v7 =	vmul.f32 v22, v22;
	v8 =	vadd.f32 v26, v8;
	v6 =	vadd.f32 v22, v6  }
0x12a: {  	v9 =	vperm.xlane v4, v3;
	v5 =	vadd.f32 v5, v19;
	v26 =	vadd.f32 v18, v11  }
0x12b: {  	v19 =	vmul.f32 v24, v24;
	v7 =	vadd.f32 v7, v8;
	v6 =	vadd.f32 v24, v6  }
0x12c: {  	v27 =	vadd.f32 v15, v10;
	v4 =	vadd.f32 v9, v4;
	v56 =	vmul.f32 $7.812500000e-03, v5  }
0x12d: {  	v5 =	vmul.f32 v26, v26;
	v7 =	vadd.f32 v19, v7;
	v6 =	vadd.f32 v26, v6  }
0x12e: {  	v4 =	vmul.f32 $7.812500000e-03, v4;
	v8 =	vmul.f32 v56, v56  }
0x12f: {  	v10 =	vmul.f32 v27, v27;
	v5 =	vadd.f32 v5, v7;
	v6 =	vadd.f32 v27, v6  }
0x130: {  	v7 =	vsub.f32 v4, v8  }
0x131: {  	v11 =	vld [tilespmem:$0x12E40];
	v32 =	vsub.f32 v12, v56;
	v15 =	vadd.f32 v10, v5;
	v8 =	vperm.xlane v6, v0  }
0x132: {  	v9 =	vld [tilespmem:$0x12E00];
	v33 =	vsub.f32 v13, v56;
	v7 =	vadd.f32 $9.999999960e-13, v7  }
0x133: {  	v12 =	vld [tilespmem:$0x12E90];
	v36 =	vsub.f32 v14, v56;
	v18 =	vadd.f32 v6, v8;
	v6 =	vperm.xlane v15, v0  }
0x134: {  	v13 =	vld [tilespmem:$0x12EA0];
	v38 =	vsub.f32 v29, v56;
	v8 =	vshra.s32 v7, $0x1;
	v39 =	vmul.f32 $5.000000000e-01, v7  }
0x135: {  	v14 =	vld [tilespmem:$0x12ED0];
	v19 =	vsub.s32 $0x5F3759DF, v8;
	v31 =	vperm.xlane v18, v1;
	v57 =	vadd.f32 v6, v15  }
0x136: {  	v29 =	vsub.f32 v28, v56;
	v28 =	vsub.f32 v17, v56;
	v17 =	vld [tilespmem:$0x12EF0];
	v15 =	vmul.f32 v19, v39  }
0x137: {  	v4 =	vld [tilespmem:$0x12E10];
	v58 =	vadd.f32 v18, v31;
	v18 =	vperm.xlane v57, v1  }
0x138: {  	v5 =	vld [tilespmem:$0x12E20];
	v31 =	vmul.f32 v19, v15  }
0x139: {  	v10 =	vld [tilespmem:$0x12E30];
	v59 =	vperm.xlane v58, v2;
	v34 =	vadd.f32 v18, v57  }
0x13a: {  	v7 =	vld [tilespmem:$0x12E50];
	v60 =	vsub.f32 $1.500000000e+00, v31  }
0x13b: {  	v8 =	vld [tilespmem:$0x12E60];
	v31 =	vsub.f32 v16, v56;
	v61 =	vadd.f32 v58, v59;
	v16 =	vperm.xlane v34, v2  }
0x13c: {  	v6 =	vld [tilespmem:$0x12E70];
	v35 =	vmul.f32 v19, v60  }
0x13d: {  	v15 =	vld [tilespmem:$0x12E80];
	v62 =	vperm.xlane v61, v3;
	v34 =	vadd.f32 v16, v34  }
0x13e: {  	v18 =	vld [tilespmem:$0x12EB0];
	v63 =	vmul.f32 v35, v39  }
0x13f: {  	v19 =	vld [tilespmem:$0x12EC0];
	v40 =	vadd.f32 v61, v62;
	v41 =	vperm.xlane v34, v3  }
0x140: {  	s3 =	simm.s32 $0x7C0;
	v30 =	vsub.f32 v30, v56;
	v16 =	vld [tilespmem:$0x12EE0];
	v37 =	vmul.f32 v63, v35  }
.LBB2_5:
0x141: {  	p0 =	sne.s32 s3, $0x18FC0;
	v40 =	vmul.f32 $7.812500000e-03, v40;
	v34 =	vadd.f32 v41, v34;
	s4 =	smov.u32 s3;
	s3 =	sadd.s32 $0x400, s3  }
0x142: {  	v37 =	vsub.f32 $1.500000000e+00, v37  }
0x143: {  	v41 =	vmul.f32 $7.812500000e-03, v34;
	v42 =	vmul.f32 v40, v40;
	v43 =	vsub.f32 v20, v40  }
0x144: {  	v34 =	vsub.f32 v23, v40;
	v44 =	vsub.f32 v21, v40;
	v21 =	vmul.f32 v37, v35  }
0x145: {  	v35 =	vsub.f32 v24, v40;
	v20 =	vsub.f32 v41, v42  }
0x146: {  	v23 =	vsub.f32 v25, v40;
	v25 =	vsub.f32 v27, v40;
	v27 =	vmul.f32 v21, v39  }
0x147: {  	v24 =	vsub.f32 v22, v40;
	v37 =	vadd.f32 $9.999999960e-13, v20  }
0x148: {  	v20 =	vsub.f32 v26, v40;
	v22 =	vmul.f32 v27, v21  }
0x149: {  	v26 =	vshra.s32 v37, $0x1;
	v27 =	vmul.f32 $5.000000000e-01, v37  }
0x14a: {  	v26 =	vsub.s32 $0x5F3759DF, v26;
	v22 =	vsub.f32 $1.500000000e+00, v22  }
0x14b: {  	v37 =	vmul.f32 v26, v27  }
0x14c: {  	v39 =	vmul.f32 v22, v21  }
0x14d: {  	s4 =	sshra.s32 s4, $0x2;
	v22 =	vmul.f32 v26, v37  }
0x14e: {  	v21 =	vld [tilespmem:s4+$0xC930];
	v32 =	vmul.f32 v39, v32;
	v33 =	vmul.f32 v39, v33  }
0x14f: {  	v36 =	vmul.f32 v39, v36;
	v31 =	vmul.f32 v39, v31;
	v37 =	vld [tilespmem:s4+$0xC9B0];
	v40 =	vsub.f32 $1.500000000e+00, v22  }
0x150: {  	v38 =	vmul.f32 v39, v38;
	v33 =	vmul.f32 v33, v5  }
0x151: {  	v36 =	vmul.f32 v36, v9;
	v22 =	vld [tilespmem:s4+$0xC920];
	v26 =	vmul.f32 v26, v40  }
0x152: {  	v32 =	vmul.f32 v32, v4;
	v31 =	vmul.f32 v31, v10;
	v40 =	vld [tilespmem:s4+$0xC9A0];
	v33 =	vadd.f32 v33, v13  }
0x153: {  	v38 =	vmul.f32 v38, v7;
	v36 =	vadd.f32 v36, v15;
	v41 =	vld [tilespmem:s4+$0xC9E0];
	v42 =	vmul.f32 v26, v27  }
0x154: {  	v29 =	vmul.f32 v39, v29;
	v32 =	vadd.f32 v32, v12;
	v31 =	vadd.f32 v31, v18;
	v45 =	vld [tilespmem:s4+$0xC990];
	[tilespmem:s2+$0x65B0] =	vst v33  }
0x155: {  	v30 =	vmul.f32 v39, v30;
	v33 =	vld [tilespmem:s4+$0xC910];
	v42 =	vmul.f32 v42, v26;
	[tilespmem:s2+$0x6590] =	vst v36;
	v36 =	vadd.f32 v38, v14  }
0x156: {  	v28 =	vmul.f32 v39, v28;
	v29 =	vmul.f32 v29, v11;
	v38 =	vld [tilespmem:s4+$0x65B0];
	[tilespmem:s2+$0x65C0] =	vst v31  }
0x157: {  	v30 =	vmul.f32 v30, v8;
	v31 =	vld [tilespmem:s4+$0x6590];
	v39 =	vsub.f32 $1.500000000e+00, v42;
	[tilespmem:s2+$0x65A0] =	vst v32  }
0x158: {  	v28 =	vmul.f32 v28, v6;
	v29 =	vadd.f32 v29, v19;
	v32 =	vld [tilespmem:s4+$0x65A0];
	[tilespmem:s2+$0x65E0] =	vst v36  }
0x159: {  	v30 =	vadd.f32 v30, v16;
	v36 =	vld [tilespmem:s4+$0x65E0];
	v26 =	vmul.f32 v39, v26  }
0x15a: {  	v28 =	vadd.f32 v28, v17;
	v39 =	vld [tilespmem:s4+$0x65C0];
	[tilespmem:s2+$0x65D0] =	vst v29  }
0x15b: {  	v29 =	vadd.f32 v37, v38;
	v37 =	vld [tilespmem:s4+$0xC9C0];
	v27 =	vmul.f32 v26, v27;
	[tilespmem:s2+$0x65F0] =	vst v30  }
0x15c: {  	[tilespmem:s2+$0x6600] =	vst v28  }
0x15d: {  	v30 =	vadd.f32 v45, v31;
	v27 =	vmul.f32 v27, v26  }
0x15e: {  	v32 =	vadd.f32 v40, v32  }
0x15f: {  	v28 =	vadd.f32 v41, v36;
	v38 =	vmul.f32 v30, v30;
	v36 =	vld [tilespmem:s4+$0xCA00];
	v27 =	vsub.f32 $1.500000000e+00, v27  }
0x160: {  	v31 =	vadd.f32 v37, v39;
	v37 =	vld [tilespmem:s4+$0x65D0];
	v39 =	vmul.f32 v32, v32  }
0x161: {  	v41 =	vadd.f32 v32, v30;
	v42 =	vmul.f32 v28, v28;
	v40 =	vld [tilespmem:s4+$0xC9D0];
	v26 =	vmul.f32 v27, v26  }
0x162: {  	v27 =	vld [tilespmem:s4+$0xC9F0];
	v38 =	vadd.f32 v39, v38;
	v39 =	vmul.f32 v29, v29;
	v45 =	vmul.f32 v31, v31  }
0x163: {  	v41 =	vadd.f32 v29, v41;
	v46 =	vld [tilespmem:s4+$0x65F0];
	v43 =	vmul.f32 v26, v43;
	v44 =	vmul.f32 v26, v44  }
0x164: {  	v35 =	vmul.f32 v26, v35;
	v47 =	vld [tilespmem:s4+$0x6600];
	v38 =	vadd.f32 v39, v38;
	v39 =	vmul.f32 v26, v34  }
0x165: {  	v41 =	vadd.f32 v31, v41;
	v25 =	vmul.f32 v26, v25;
	v43 =	vmul.f32 v43, v9  }
0x166: {  	v23 =	vmul.f32 v26, v23;
	v34 =	vadd.f32 v40, v37;
	v40 =	vmul.f32 v35, v7  }
0x167: {  	v24 =	vmul.f32 v26, v24;
	v25 =	vmul.f32 v25, v6;
	v43 =	vadd.f32 v43, v15  }
0x168: {  	v44 =	vmul.f32 v44, v5;
	v37 =	vadd.f32 v27, v46;
	v27 =	vmul.f32 v34, v34  }
0x169: {  	v23 =	vmul.f32 v23, v10;
	v24 =	vmul.f32 v24, v11;
	v35 =	vadd.f32 v36, v47;
	[tilespmem:s2+$0x6510] =	vst v43  }
0x16a: {  	v20 =	vmul.f32 v26, v20;
	v38 =	vadd.f32 v45, v38;
	v36 =	vld [tilespmem:s4+$0x6510];
	v43 =	vmul.f32 v37, v37  }
0x16b: {  	v39 =	vmul.f32 v39, v4;
	v23 =	vadd.f32 v23, v18;
	v26 =	vadd.f32 v34, v41  }
0x16c: {  	v24 =	vadd.f32 v24, v19;
	v27 =	vadd.f32 v27, v38;
	v38 =	vmul.f32 v35, v35  }
0x16d: {  	v39 =	vadd.f32 v39, v12;
	v26 =	vadd.f32 v28, v26;
	[tilespmem:s2+$0x6540] =	vst v23;
	v23 =	vmul.f32 v20, v8  }
0x16e: {  	v41 =	vadd.f32 v44, v13;
	v27 =	vadd.f32 v42, v27;
	[tilespmem:s2+$0x6550] =	vst v24  }
0x16f: {  	v24 =	vadd.f32 v40, v14;
	v20 =	vadd.f32 v33, v36;
	v33 =	vld [tilespmem:s4+$0xC940];
	[tilespmem:s2+$0x6520] =	vst v39  }
0x170: {  	v27 =	vadd.f32 v43, v27;
	v23 =	vadd.f32 v23, v16;
	v36 =	vld [tilespmem:s4+$0xC970];
	[tilespmem:s2+$0x6530] =	vst v41  }
0x171: {  	v26 =	vadd.f32 v37, v26;
	v39 =	vld [tilespmem:s4+$0xC960];
	v40 =	vmul.f32 v20, v20;
	[tilespmem:s2+$0x6560] =	vst v24;
	v24 =	vadd.f32 v25, v17  }
0x172: {  	v27 =	vadd.f32 v38, v27;
	v25 =	vld [tilespmem:s4+$0x6530];
	[tilespmem:s2+$0x6570] =	vst v23  }
0x173: {  	v26 =	vadd.f32 v35, v26;
	v23 =	vld [tilespmem:s4+$0x6560];
	[tilespmem:s2+$0x6580] =	vst v24;
	s2 =	smov.u32 s4  }
0x174: {  	v24 =	vperm.xlane v27, v0;
	v38 =	vld [tilespmem:s2+$0x6520]  }
0x175: {  	v42 =	vperm.xlane v26, v0;
	v41 =	vld [tilespmem:s2+$0x6550]  }
0x176: {  	v27 =	vadd.f32 v24, v27;
	v43 =	vld [tilespmem:s2+$0xC950]  }
0x177: {  	v42 =	vadd.f32 v26, v42;
	v21 =	vadd.f32 v21, v25;
	v25 =	vld [tilespmem:s2+$0x6570]  }
0x178: {  	v26 =	vperm.xlane v27, v1;
	v44 =	vld [tilespmem:s2+$0x6540];
	v24 =	vadd.f32 v39, v23  }
0x179: {  	v45 =	vperm.xlane v42, v1;
	v23 =	vadd.f32 v22, v38;
	v38 =	vld [tilespmem:s2+$0x6580];
	v39 =	vmul.f32 v21, v21  }
0x17a: {  	v27 =	vadd.f32 v26, v27  }
0x17b: {  	v46 =	vmul.f32 v24, v24;
	v22 =	vadd.f32 v43, v41;
	v41 =	vld [tilespmem:s2+$0xC980];
	v43 =	vadd.f32 v23, v20  }
0x17c: {  	v26 =	vadd.f32 v36, v25;
	v36 =	vadd.f32 v42, v45;
	v42 =	vperm.xlane v27, v2  }
0x17d: {  	v25 =	vadd.f32 v33, v44;
	v33 =	vmul.f32 v23, v23;
	v44 =	vmul.f32 v22, v22  }
0x17e: {  	v45 =	vmul.f32 v26, v26;
	v47 =	vperm.xlane v36, v2;
	v42 =	vadd.f32 v42, v27  }
0x17f: {  	v33 =	vadd.f32 v33, v40;
	v40 =	vadd.f32 v21, v43;
	v43 =	vmul.f32 v25, v25  }
0x180: {  	v27 =	vadd.f32 v41, v38;
	v36 =	vadd.f32 v36, v47;
	v38 =	vperm.xlane v42, v3  }
0x181: {  	v33 =	vadd.f32 v39, v33;
	v39 =	vadd.f32 v25, v40  }
0x182: {  	v40 =	vmul.f32 v27, v27;
	v41 =	vperm.xlane v36, v3;
	v38 =	vadd.f32 v38, v42  }
0x183: {  	v33 =	vadd.f32 v43, v33;
	v39 =	vadd.f32 v22, v39  }
0x184: {  	v36 =	vadd.f32 v36, v41  }
0x185: {  	v33 =	vadd.f32 v44, v33;
	v39 =	vadd.f32 v24, v39  }
0x186: {  	v41 =	vmul.f32 $7.812500000e-03, v36;
	v36 =	vmul.f32 $7.812500000e-03, v38  }
0x187: {  	v38 =	vadd.f32 v46, v33;
	v39 =	vadd.f32 v26, v39  }
0x188: {  	v42 =	vmul.f32 v41, v41;
	v32 =	vsub.f32 v32, v41;
	v33 =	vsub.f32 v29, v41  }
0x189: {  	v29 =	vadd.f32 v45, v38;
	v39 =	vadd.f32 v27, v39  }
0x18a: {  	v38 =	vsub.f32 v36, v42;
	v36 =	vsub.f32 v30, v41  }
0x18b: {  	v31 =	vsub.f32 v31, v41;
	v40 =	vadd.f32 v40, v29;
	v29 =	vperm.xlane v39, v0  }
0x18c: {  	v30 =	vadd.f32 $9.999999960e-13, v38;
	v38 =	vsub.f32 v28, v41  }
0x18d: {  	v42 =	vadd.f32 v39, v29;
	v28 =	vperm.xlane v40, v0;
	v29 =	vsub.f32 v34, v41  }
0x18e: {  	v34 =	vshra.s32 v30, $0x1;
	v39 =	vmul.f32 $5.000000000e-01, v30;
	v30 =	vsub.f32 v37, v41  }
0x18f: {  	v37 =	vperm.xlane v42, v1;
	v40 =	vadd.f32 v28, v40;
	v34 =	vsub.s32 $0x5F3759DF, v34  }
0x190: {  	v28 =	vsub.f32 v35, v41;
	v43 =	vmul.f32 v34, v39  }
0x191: {  	v35 =	vadd.f32 v42, v37;
	v37 =	vperm.xlane v40, v1  }
0x192: {  	v41 =	vmul.f32 v34, v43  }
0x193: {  	v42 =	vperm.xlane v35, v2;
	v37 =	vadd.f32 v37, v40  }
0x194: {  	v40 =	vsub.f32 $1.500000000e+00, v41  }
0x195: {  	v41 =	vadd.f32 v35, v42;
	v42 =	vperm.xlane v37, v2  }
.Ltmp1:
0x196: {  	v35 =	vmul.f32 v34, v40;
	(pc) =	sbr.rel @p0 .LBB2_5-.Ltmp1, $4  }
0x197: {  	v40 =	vperm.xlane v41, v3;
	v34 =	vadd.f32 v42, v37  }
0x198: {  	v37 =	vmul.f32 v35, v39  }
0x199: {  	v40 =	vadd.f32 v41, v40;
	v41 =	vperm.xlane v34, v3  }
0x19a: {  	v37 =	vmul.f32 v37, v35  }
0x19b: {  	v40 =	vmul.f32 $7.812500000e-03, v40;
	v34 =	vadd.f32 v41, v34;
	_ =	sdelay $0x1  }
0x19c: {  	v34 =	vmul.f32 $7.812500000e-03, v34;
	v48 =	vmul.f32 v40, v40;
	_ =	sdelay $0x1  }
0x19d: {  	v34 =	vsub.f32 v34, v48;
	_ =	sdelay $0x1  }
0x19e: {  	v34 =	vadd.f32 $9.999999960e-13, v34;
	_ =	sdelay $0x1  }
0x19f: {  	v49 =	vshra.s32 v34, $0x1;
	v34 =	vmul.f32 $5.000000000e-01, v34  }
0x1a0: {  	v41 =	vsub.s32 $0x5F3759DF, v49  }
0x1a1: {  	v42 =	vmul.f32 v41, v34;
	_ =	sdelay $0x1  }
0x1a2: {  	v42 =	vmul.f32 v41, v42  }
0x1a3: {  	v37 =	vsub.f32 $1.500000000e+00, v37  }
0x1a4: {  	v42 =	vsub.f32 $1.500000000e+00, v42  }
0x1a5: {  	v35 =	vmul.f32 v37, v35  }
0x1a6: {  	v50 =	vmul.f32 v41, v42  }
0x1a7: {  	v39 =	vmul.f32 v35, v39  }
0x1a8: {  	v41 =	vmul.f32 v50, v34  }
0x1a9: {  	v39 =	vmul.f32 v39, v35  }
0x1aa: {  	v41 =	vmul.f32 v41, v50  }
0x1ab: {  	v39 =	vsub.f32 $1.500000000e+00, v39  }
0x1ac: {  	v41 =	vsub.f32 $1.500000000e+00, v41  }
0x1ad: {  	v20 =	vsub.f32 v20, v40;
	v35 =	vmul.f32 v39, v35  }
0x1ae: {  	v23 =	vsub.f32 v23, v40;
	v21 =	vsub.f32 v21, v40;
	v37 =	vmul.f32 v41, v50  }
0x1af: {  	v24 =	vsub.f32 v24, v40;
	v32 =	vmul.f32 v35, v32;
	v33 =	vmul.f32 v35, v33  }
0x1b0: {  	v25 =	vsub.f32 v25, v40;
	v36 =	vmul.f32 v35, v36;
	v34 =	vmul.f32 v37, v34  }
0x1b1: {  	v27 =	vsub.f32 v27, v40;
	v31 =	vmul.f32 v35, v31;
	v38 =	vmul.f32 v35, v38  }
0x1b2: {  	v22 =	vsub.f32 v22, v40;
	v33 =	vmul.f32 v33, v5;
	v34 =	vmul.f32 v34, v37  }
0x1b3: {  	v26 =	vsub.f32 v26, v40;
	v29 =	vmul.f32 v35, v29;
	v36 =	vmul.f32 v36, v9  }
0x1b4: {  	v31 =	vmul.f32 v31, v10;
	v33 =	vadd.f32 v33, v13;
	v34 =	vsub.f32 $1.500000000e+00, v34  }
0x1b5: {  	v30 =	vmul.f32 v35, v30;
	v32 =	vmul.f32 v32, v4;
	v36 =	vadd.f32 v36, v15  }
0x1b6: {  	v38 =	vmul.f32 v38, v7;
	v31 =	vadd.f32 v31, v18;
	[tilespmem:s2+$0x65B0] =	vst v33;
	v51 =	vmul.f32 v34, v37  }
0x1b7: {  	v28 =	vmul.f32 v35, v28;
	v29 =	vmul.f32 v29, v11;
	v32 =	vadd.f32 v32, v12;
	[tilespmem:s2+$0x6590] =	vst v36  }
0x1b8: {  	v30 =	vmul.f32 v30, v8;
	v52 =	vadd.f32 v38, v14;
	[tilespmem:s2+$0x65C0] =	vst v31;
	v20 =	vmul.f32 v51, v20  }
0x1b9: {  	v28 =	vmul.f32 v28, v6;
	v29 =	vadd.f32 v29, v19;
	[tilespmem:s2+$0x65A0] =	vst v32;
	v25 =	vmul.f32 v51, v25  }
0x1ba: {  	v30 =	vadd.f32 v30, v16;
	[tilespmem:s2+$0x65E0] =	vst v52;
	v54 =	vmul.f32 v51, v22;
	v53 =	vmul.f32 v20, v9  }
0x1bb: {  	v55 =	vadd.f32 v28, v17;
	[tilespmem:s2+$0x65D0] =	vst v29;
	v23 =	vmul.f32 v51, v23;
	v56 =	vmul.f32 v25, v10  }
0x1bc: {  	[tilespmem:s2+$0x65F0] =	vst v30;
	v21 =	vmul.f32 v51, v21;
	v57 =	vmul.f32 v54, v11;
	v9 =	vadd.f32 v53, v15  }
0x1bd: {  	[tilespmem:s2+$0x6600] =	vst v55;
	v58 =	vmul.f32 v51, v24;
	v4 =	vmul.f32 v23, v4;
	v10 =	vadd.f32 v56, v18  }
0x1be: {  	v59 =	vmul.f32 v51, v26;
	v5 =	vmul.f32 v21, v5;
	v11 =	vadd.f32 v57, v19;
	[tilespmem:s2+$0x6510] =	vst v9  }
0x1bf: {  	v60 =	vmul.f32 v51, v27;
	v61 =	vmul.f32 v58, v7;
	v4 =	vadd.f32 v4, v12;
	[tilespmem:s2+$0x6540] =	vst v10  }
0x1c0: {  	s31 =	sadd.s32 $0x1, s31;
	v62 =	vmul.f32 v59, v8;
	v5 =	vadd.f32 v5, v13;
	[tilespmem:s2+$0x6550] =	vst v11  }
0x1c1: {  	p0 =	sne.s32 s31, $0x40;
	v63 =	vmul.f32 v60, v6;
	[tilespmem:s2+$0x6520] =	vst v4;
	v4 =	vadd.f32 v61, v14  }
.Ltmp2:
0x1c2: {  	[tilespmem:s2+$0x6530] =	vst v5;
	v5 =	vadd.f32 v62, v16;
	(pc) =	sbr.rel @p0 .LBB2_2-.Ltmp2, $4  }
0x1c3: {  	s0 =	smul.u32 $0xC80, s0;
	[tilespmem:s2+$0x6560] =	vst v4;
	v4 =	vadd.f32 v63, v17  }
0x1c4: {  	[tilespmem:s2+$0x6570] =	vst v5  }
0x1c5: {  	s0 =	sadd.s32 s5, s0;
	[tilespmem:s2+$0x6580] =	vst v4  }
0x1c6: {  	[hbm4b:s0+s6] =	stream.linear.scatter [tilespmem:s22], [sflag:$0x4], $0x6400, $0x38;
	[tilespmem:$0x12F00] =	vst v63  }
0x1c7: {  	s30 =	sadd.s32 $0x1, s30  }
0x1c8: {  	_ =	swait.ge [sflag:s28], $0x6400;
	p0 =	sne.s32 s30, s12  }
.Ltmp3:
0x1c9: {  	[sflag:s28] =	ssyncset.done $0x0;
	(pc) =	sbr.rel @p0 .LBB2_1-.Ltmp3, $4  }
0x1ca: {  	[sflag:s28] =	ssyncadd.s32 $0xFFFF9C00  }
0x1cb: {  	_ =	swait.ge [sflag:s29], $0x6400  }
0x1cc: {  	[sflag:s29] =	ssyncset.done $0x0  }
0x1cd: {  	[sflag:s29] =	ssyncadd.s32 $0xFFFF9C00  }
0x1ce: {  	_ =	sfence.sel $0x180000  }
0x1cf: {  	[bflag:$0x0] =	sbarrier.arrive $0xFFFF  }
0x1d0: {  	_ =	strace $0x90000047  }
0x1d1: {  	s0 =	stileid.u32;
	[bflag:$0x2] =	sbarrier.arrive $0xFFFF  }
0x1d2: {  	p0 =	sne.s32 s0, $0x0;
	s0 =	rddreg [dreg:$0x6]  }
0x1d3: {  	s0 =	sadd.s32 @!p0 $0x100000, s0  }
0x1d4: {  	[sflag:s0] =	ssyncadd.tile.s32 @!p0 $0x1;
	_ =	shalt  }
.Lfunc_end2:
_tile_overlayer_lowered:
.L_overlay_start_2:
0x1d5: {  	(tag) =	ssettag $0x2  }
0x1d6: {  	s0 =	rddreg [dreg:$0x0];
	s2 =	stileid.u32  }
0x1d7: {  	s1 =	rddreg [dreg:$0x1];
	p0 =	sne.s32 s2, $0x0  }
0x1d8: {  	s3 =	rddreg [dreg:$0x2];
	[bflag:$0x3] =	sbarrier.arrive $0xFFFF;
	s2 =	simm.s32 @!p0 $0x1C05  }
0x1d9: {  	[timem:s3], [sflag:s2] =	dma.local @!p0 [hbm:s0], s1  }
0x1da: {  	s0 =	simm.s32 @!p0 $0x5  }
0x1db: {  	_ =	swait.ge @!p0 [sflag:s0], s1  }
0x1dc: {  	s1 =	ssub.s32 @!p0 $0x0, s1;
	[sflag:s0] =	ssyncset.done @!p0 $0x0  }
0x1dd: {  	[sflag:s0] =	ssyncadd.s32 @!p0 s1  }
0x1de: {  	[bflag:$0x3] =	sbarrier.arrive $0xFFFF  }
0x1df: {  	_ =	shalt  }

</sc_bundles>
